<compile_context>
chip_gen: v7x
topology: tpu7x:2x2x1
jax: 0.10.2.dev20260603
libtpu: 0.0.44.dev20260713+nightly
codegen_flags: <defaults>
</compile_context>

<pallas_src>
import jax
import jax.numpy as jnp
from jax import lax
from jax.experimental import pallas as pl
from jax.experimental.pallas import tpu as pltpu
from jax.experimental.pallas import tpu_sc as plsc

N = 10000
E = 320000
D = 128
H = 32
L = 10

NUM_TILES = 16
NUM_CORES = 2
CHUNK = E // NUM_TILES
HALF = CHUNK // NUM_CORES
NP = 10240
SLICE = NP // NUM_TILES
LANES = 16
ZU = 8
EU = 5
WIN = CHUNK + 96
W1 = 10112
NGRP = CHUNK // LANES
G1 = 620


def _rsqrt16(d):
    i = lax.bitcast_convert_type(d, jnp.int32)
    i = jnp.int32(0x5F3759DF) - lax.shift_right_logical(i, 1)
    y = lax.bitcast_convert_type(i, jnp.float32)
    for _ in range(3):
        y = y * (1.5 - 0.5 * d * y * y)
    return y


def _sc_body(edge_hbm, out_hbm,
             edge_v, hist_v, norm_v, tmp_v, slice_v, sem, sem2,
             shared_h, shared_n):
    sid = lax.axis_index("s")
    cid = lax.axis_index("c")
    base_e = sid * CHUNK
    base_n = sid * SLICE
    zeros = jnp.zeros((LANES,), jnp.float32)
    ones = jnp.full((LANES,), 1.0, jnp.float32)

    start_a = base_e - lax.rem(base_e, 128)
    start_a = pl.multiple_of(start_a, 128)
    off = base_e - start_a
    cp_e1 = pltpu.async_copy(
        edge_hbm.at[:, pl.ds(start_a, W1)], edge_v.at[:, pl.ds(0, W1)], sem)
    cp_e2 = pltpu.async_copy(
        edge_hbm.at[:, pl.ds(start_a + W1, WIN - W1)],
        edge_v.at[:, pl.ds(W1, WIN - W1)], sem2)

    def zero_body(i, _):
        for u in range(ZU):
            hist_v[pl.ds((i * ZU + u) * LANES, LANES)] = zeros
        return 0

    def stage_and_reduce():
        pltpu.sync_copy(hist_v, shared_h.at[sid])
        plsc.subcore_barrier()
        pltpu.sync_copy(shared_h.at[:, pl.ds(base_n, SLICE)], tmp_v)

    lax.fori_loop(0, NP // (LANES * ZU), zero_body, 0)
    cp_e1.wait()

    def make_hist_body(g0, clamp):
        def body(i, carry):
            a, b = carry
            for u in range(EU):
                g = g0 + i * EU + u
                o_pf = off + jnp.minimum((g + 2) * LANES, clamp)
                nxt = edge_v[1, pl.ds(o_pf, LANES)]
                plsc.addupdate_scatter(hist_v, [a], ones)
                a, b = b, nxt
            return (a, b)
        return body

    lax.fori_loop(0, G1 // EU, make_hist_body(0, (G1 - 1) * LANES),
                  (edge_v[1, pl.ds(off, LANES)],
                   edge_v[1, pl.ds(off + LANES, LANES)]))
    cp_e2.wait()
    lax.fori_loop(0, (NGRP - G1) // EU,
                  make_hist_body(G1, CHUNK - LANES),
                  (edge_v[1, pl.ds(off + G1 * LANES, LANES)],
                   edge_v[1, pl.ds(off + (G1 + 1) * LANES, LANES)]))

    stage_and_reduce()

    def tree_sum(j):
        vals = [tmp_v[t, pl.ds(j * LANES, LANES)] for t in range(NUM_TILES)]
        while len(vals) > 1:
            vals = [vals[k] + vals[k + 1] for k in range(0, len(vals), 2)]
        return vals[0]

    def norm_body(j, _):
        slice_v[pl.ds(j * LANES, LANES)] = _rsqrt16(tree_sum(j) + 1.0)
        return 0
    lax.fori_loop(0, SLICE // LANES, norm_body, 0)

    pltpu.sync_copy(slice_v, shared_n.at[pl.ds(base_n, SLICE)])
    plsc.subcore_barrier()
    pltpu.sync_copy(shared_n, norm_v)

    @pl.when(cid == 0)
    def _():
        pltpu.sync_copy(slice_v, out_hbm.at[pl.ds(2 * NP + base_n, SLICE)])

    lax.fori_loop(0, NP // (LANES * ZU), zero_body, 0)
    half_off = off + cid * HALF

    def seg_body(i, carry):
        sa, va, sb, db = carry
        for u in range(EU):
            g = i * EU + u
            o_pf = half_off + jnp.minimum((g + 2) * LANES, HALF - LANES)
            sn = edge_v[0, pl.ds(o_pf, LANES)]
            dn = edge_v[1, pl.ds(o_pf, LANES)]
            vb = plsc.load_gather(norm_v, [db])
            plsc.addupdate_scatter(hist_v, [sa], va)
            sa, va, sb, db = sb, vb, sn, dn
        return (sa, va, sb, db)
    d0 = edge_v[1, pl.ds(half_off, LANES)]
    lax.fori_loop(0, HALF // (LANES * EU), seg_body,
                  (edge_v[0, pl.ds(half_off, LANES)],
                   plsc.load_gather(norm_v, [d0]),
                   edge_v[0, pl.ds(half_off + LANES, LANES)],
                   edge_v[1, pl.ds(half_off + LANES, LANES)]))

    stage_and_reduce()

    def s_body(j, _):
        slice_v[pl.ds(j * LANES, LANES)] = tree_sum(j)
        return 0
    lax.fori_loop(0, SLICE // LANES, s_body, 0)

    @pl.when(cid == 0)
    def _():
        pltpu.sync_copy(slice_v, out_hbm.at[pl.ds(base_n, SLICE)])

    @pl.when(cid == 1)
    def _():
        pltpu.sync_copy(slice_v, out_hbm.at[pl.ds(NP + base_n, SLICE)])


@jax.jit
def _sc_coeffs(edge_index):
    mesh = plsc.VectorSubcoreMesh(
        core_axis_name="c", subcore_axis_name="s", num_cores=NUM_CORES)
    return pl.kernel(
        _sc_body,
        out_type=jax.ShapeDtypeStruct((3 * NP,), jnp.float32),
        mesh=mesh,
        compiler_params=pltpu.CompilerParams(needs_layout_passes=False),
        scratch_types=[
            pltpu.VMEM((2, WIN), jnp.int32),
            pltpu.VMEM((NP,), jnp.float32),
            pltpu.VMEM((NP,), jnp.float32),
            pltpu.VMEM((NUM_TILES, SLICE), jnp.float32),
            pltpu.VMEM((SLICE,), jnp.float32),
            pltpu.SemaphoreType.DMA,
            pltpu.SemaphoreType.DMA,
            pltpu.VMEM_SHARED((NUM_TILES, NP), jnp.float32),
            pltpu.VMEM_SHARED((NP,), jnp.float32),
        ],
    )(edge_index)


def _tc_body(x_ref, s_ref, w1_ref, b1_ref, w2_ref, b2_ref, o_ref):
    hi = jax.lax.Precision.HIGHEST
    nrm = s_ref[pl.ds(2 * NP, NP)]
    c = nrm * (s_ref[pl.ds(0, NP)] + s_ref[pl.ds(NP, NP)]) + nrm * nrm
    c_row = c[:N].reshape(1, N)
    v = lax.dot_general(c_row, x_ref[...], (((1,), (0,)), ((), ())),
                        precision=hi, preferred_element_type=jnp.float32)
    pooled = lax.dot_general(v, w1_ref[...], (((1,), (0,)), ((), ())),
                             precision=hi, preferred_element_type=jnp.float32)
    pooled = pooled + jnp.float32(N) * b1_ref[...][None, :]
    logits = lax.dot_general(pooled, w2_ref[...], (((1,), (0,)), ((), ())),
                             precision=hi, preferred_element_type=jnp.float32)
    logits = logits + b2_ref[...][None, :]
    m = jnp.max(logits, axis=1, keepdims=True)
    e = jnp.exp(logits - m)
    p = e / jnp.sum(e, axis=1, keepdims=True)
    o_ref[...] = p[0]


@jax.jit
def _tc_head(x, s_all, w1, b1, w2, b2):
    return pl.pallas_call(
        _tc_body,
        out_shape=jax.ShapeDtypeStruct((L,), jnp.float32),
    )(x, s_all, w1, b1, w2, b2)


def kernel(x, edge_index, W1, b1, W2, b2):
    s_all = _sc_coeffs(edge_index)
    return _tc_head(x, s_all, W1, b1, W2, b2)

# --- scband reference (transcript-rebuilt; emitter-appended) ---
"""Pipeline reference for scband-gcnmodel-68530498175456 (READ-ONLY COPY).

The authoritative reference and input builder live on the scoring server;
editing this copy changes nothing except your own understanding.
"""

import jax, jax.numpy as jnp
import numpy as np

N = 10000
E = 320000
D = 128
H = 32
L = 10

def setup_inputs(seed: int = 0) -> dict:
    key = jax.random.key(seed)
    k1, k2, k3, k4, k5, k6 = jax.random.split(key, 6)
    x = jax.random.normal(k1, (N, D), dtype=jnp.float32)
    edge_index = jax.random.randint(k2, (2, E), 0, N, dtype=jnp.int32)
    # GCNConv(32) kernel/bias (glorot-like scale)
    W1 = jax.random.normal(k3, (D, H), dtype=jnp.float32) * (1.0 / np.sqrt(D))
    b1 = jnp.zeros((H,), dtype=jnp.float32)
    # Dense(n_labels)
    W2 = jax.random.normal(k4, (H, L), dtype=jnp.float32) * (1.0 / np.sqrt(H))
    b2 = jnp.zeros((L,), dtype=jnp.float32)
    return {"x": x, "edge_index": edge_index, "W1": W1, "b1": b1, "W2": W2, "b2": b2}

def reference(x, edge_index, W1, b1, W2, b2):
    # GCNConv: out = A_norm @ (x @ W1) + b1 (linear activation),
    # where A_norm is GCN-normalized adjacency with self-loops.
    Nn = x.shape[0]
    src = edge_index[0]
    dst = edge_index[1]
    deg = jnp.bincount(dst, length=Nn).astype(jnp.float32) + 1.0  # +1 for self-loop
    norm = 1.0 / jnp.sqrt(deg)
    w_e = norm[src] * norm[dst]
    h = x @ W1
    msg = h[src] * w_e[:, None]
    agg = jnp.zeros_like(h).at[dst].add(msg)
    agg = agg + h * (norm * norm)[:, None]  # self-loop contribution
    nodes = agg + b1
    # Dropout: inference mode -> identity
    # GlobalSumPool over node axis
    pooled = jnp.sum(nodes, axis=0)
    # Dense(n_labels, activation=softmax)
    logits = pooled @ W2 + b2
    return jax.nn.softmax(logits)

if __name__ == "__main__":
    import jax
    _d = setup_inputs()
    print(jax.jit(kernel)(*tuple(_d.values())))

</pallas_src>

<mosaic_0001>
#map = affine_map<(d0, d1) -> (0, 0)>
#map1 = affine_map<(d0, d1) -> (0)>
module attributes {stable_mosaic.version = 14 : i64} {
  func.func @_sc_body(%arg0: i32, %arg1: i32, %arg2: memref<2x320000xi32, #tpu.memory_space<hbm>>, %arg3: memref<30720xf32, #tpu.memory_space<hbm>>, %arg4: memref<2x20096xi32, #tpu.memory_space<vmem>>, %arg5: memref<10240xf32, #tpu.memory_space<vmem>>, %arg6: memref<10240xf32, #tpu.memory_space<vmem>>, %arg7: memref<16x640xf32, #tpu.memory_space<vmem>>, %arg8: memref<640xf32, #tpu.memory_space<vmem>>, %arg9: memref<!tpu.dma_semaphore, #tpu.memory_space<semaphore_mem>>, %arg10: memref<!tpu.dma_semaphore, #tpu.memory_space<semaphore_mem>>, %arg11: memref<16x10240xf32, #tpu.memory_space<vmem_shared>>, %arg12: memref<10240xf32, #tpu.memory_space<vmem_shared>>) attributes {dimension_semantics = [#tpu.dimension_semantics<core_parallel>, #tpu.dimension_semantics<subcore_parallel>], iteration_bounds = array<i64: 2, 16>, scalar_prefetch = 0 : i64, scratch_operands = 9 : i64, tpu.core_type = #tpu.core_type<sc_vector_subcore>, window_params = [{transform_indices = #map}, {transform_indices = #map1}]} {
    %mul3A = arith.constant 20000 : i32
    %mul3A_0 = arith.muli %arg1, %mul3A : i32
    %mul3A_1 = arith.constant 640 : i32
    %mul3A_2 = arith.muli %arg1, %mul3A_1 : i32
    %broadcast_in_dim3A = arith.constant 0.000000e+00 : f32
    %broadcast_in_dim3A_3 = vector.broadcast %broadcast_in_dim3A : f32 to vector<16xf32>
    %broadcast_in_dim3A_4 = arith.constant 1.000000e+00 : f32
    %broadcast_in_dim3A_5 = vector.broadcast %broadcast_in_dim3A_4 : f32 to vector<16xf32>
    %rem3A = arith.constant 128 : i32
    %rem3A_6 = arith.remsi %mul3A_0, %rem3A : i32
    %sub3A = arith.subi %mul3A_0, %rem3A_6 : i32
    %multiple_of3A = tpu.assume_multiple %sub3A, 128 : i32
    %sub3A_7 = arith.subi %mul3A_0, %multiple_of3A : i32
    %dma_start3A = arith.constant 0 : i32
    %dma_start3A_8 = arith.constant 0 : i32
    %dma_start3A_9 = tpu.memref_slice %arg4[%dma_start3A, %dma_start3A_8] : memref<2x20096xi32, #tpu.memory_space<vmem>> -> memref<2x10112xi32, #tpu.memory_space<vmem>>
    %dma_start3A_10 = arith.constant 0 : i32
    %dma_start3A_11 = tpu.memref_slice %arg2[%dma_start3A_10, %multiple_of3A] : memref<2x320000xi32, #tpu.memory_space<hbm>> -> memref<2x10112xi32, #tpu.memory_space<hbm>>
    %dma_start3A_12 = arith.constant 0 : i32
    %dma_start3A_13 = arith.constant 0 : i32
    %dma_start3A_14 = tpu.memref_slice %arg4[%dma_start3A_12, %dma_start3A_13] : memref<2x20096xi32, #tpu.memory_space<vmem>> -> memref<2x10112xi32, #tpu.memory_space<vmem>>
    %dma_start3A_15 = arith.constant 0 : i32
    %dma_start3A_16 = tpu.memref_slice %arg2[%dma_start3A_15, %multiple_of3A] : memref<2x320000xi32, #tpu.memory_space<hbm>> -> memref<2x10112xi32, #tpu.memory_space<hbm>>
    tpu.enqueue_dma source(%dma_start3A_16 : memref<2x10112xi32, #tpu.memory_space<hbm>>) target(%dma_start3A_14 : memref<2x10112xi32, #tpu.memory_space<vmem>>) target_semaphore(%arg9 : memref<!tpu.dma_semaphore, #tpu.memory_space<semaphore_mem>>)
    %add3A = arith.constant 10112 : i32
    %add3A_17 = arith.addi %multiple_of3A, %add3A : i32
    %dma_start3A_18 = arith.constant 0 : i32
    %dma_start3A_19 = arith.constant 10112 : i32
    %dma_start3A_20 = tpu.memref_slice %arg4[%dma_start3A_18, %dma_start3A_19] : memref<2x20096xi32, #tpu.memory_space<vmem>> -> memref<2x9984xi32, #tpu.memory_space<vmem>>
    %dma_start3A_21 = arith.constant 0 : i32
    %dma_start3A_22 = tpu.memref_slice %arg2[%dma_start3A_21, %add3A_17] : memref<2x320000xi32, #tpu.memory_space<hbm>> -> memref<2x9984xi32, #tpu.memory_space<hbm>>
    %dma_start3A_23 = arith.constant 0 : i32
    %dma_start3A_24 = arith.constant 10112 : i32
    %dma_start3A_25 = tpu.memref_slice %arg4[%dma_start3A_23, %dma_start3A_24] : memref<2x20096xi32, #tpu.memory_space<vmem>> -> memref<2x9984xi32, #tpu.memory_space<vmem>>
    %dma_start3A_26 = arith.constant 0 : i32
    %dma_start3A_27 = tpu.memref_slice %arg2[%dma_start3A_26, %add3A_17] : memref<2x320000xi32, #tpu.memory_space<hbm>> -> memref<2x9984xi32, #tpu.memory_space<hbm>>
    tpu.enqueue_dma source(%dma_start3A_27 : memref<2x9984xi32, #tpu.memory_space<hbm>>) target(%dma_start3A_25 : memref<2x9984xi32, #tpu.memory_space<vmem>>) target_semaphore(%arg10 : memref<!tpu.dma_semaphore, #tpu.memory_space<semaphore_mem>>)
    %scan3A = arith.constant 0 : i32
    %scan3A_28 = arith.constant 0 : i32
    %scan3A_29 = arith.constant 80 : i32
    %scan3A_30 = arith.addi %scan3A_28, %scan3A_29 : i32
    %scan3A_31 = arith.constant 1 : i32
    %scan3A_32 = scf.for %scan3A_150 = %scan3A_28 to %scan3A_30 step %scan3A_31 iter_args(%scan3A_151 = %scan3A) -> (i32)  : i32 {
      %mul3A_152 = arith.constant 8 : i32
      %mul3A_153 = arith.muli %scan3A_150, %mul3A_152 : i32
      %add3A_154 = arith.constant 0 : i32
      %add3A_155 = arith.addi %mul3A_153, %add3A_154 : i32
      %mul3A_156 = arith.constant 16 : i32
      %mul3A_157 = arith.muli %add3A_155, %mul3A_156 : i32
      %swap3A = arith.index_cast %mul3A_157 : i32 to index
      %swap3A_158 = tpu.vector_load %arg5[%swap3A] {strides = array<i32>} : memref<10240xf32, #tpu.memory_space<vmem>>, vector<16xf32>,
      tpu.vector_store %arg5[%swap3A], %broadcast_in_dim3A_3 {strides = array<i32>} : memref<10240xf32, #tpu.memory_space<vmem>>, vector<16xf32>,
      %mul3A_159 = arith.constant 8 : i32
      %mul3A_160 = arith.muli %scan3A_150, %mul3A_159 : i32
      %add3A_161 = arith.constant 1 : i32
      %add3A_162 = arith.addi %mul3A_160, %add3A_161 : i32
      %mul3A_163 = arith.constant 16 : i32
      %mul3A_164 = arith.muli %add3A_162, %mul3A_163 : i32
      %swap3A_165 = arith.index_cast %mul3A_164 : i32 to index
      %swap3A_166 = tpu.vector_load %arg5[%swap3A_165] {strides = array<i32>} : memref<10240xf32, #tpu.memory_space<vmem>>, vector<16xf32>,
      tpu.vector_store %arg5[%swap3A_165], %broadcast_in_dim3A_3 {strides = array<i32>} : memref<10240xf32, #tpu.memory_space<vmem>>, vector<16xf32>,
      %mul3A_167 = arith.constant 8 : i32
      %mul3A_168 = arith.muli %scan3A_150, %mul3A_167 : i32
      %add3A_169 = arith.constant 2 : i32
      %add3A_170 = arith.addi %mul3A_168, %add3A_169 : i32
      %mul3A_171 = arith.constant 16 : i32
      %mul3A_172 = arith.muli %add3A_170, %mul3A_171 : i32
      %swap3A_173 = arith.index_cast %mul3A_172 : i32 to index
      %swap3A_174 = tpu.vector_load %arg5[%swap3A_173] {strides = array<i32>} : memref<10240xf32, #tpu.memory_space<vmem>>, vector<16xf32>,
      tpu.vector_store %arg5[%swap3A_173], %broadcast_in_dim3A_3 {strides = array<i32>} : memref<10240xf32, #tpu.memory_space<vmem>>, vector<16xf32>,
      %mul3A_175 = arith.constant 8 : i32
      %mul3A_176 = arith.muli %scan3A_150, %mul3A_175 : i32
      %add3A_177 = arith.constant 3 : i32
      %add3A_178 = arith.addi %mul3A_176, %add3A_177 : i32
      %mul3A_179 = arith.constant 16 : i32
      %mul3A_180 = arith.muli %add3A_178, %mul3A_179 : i32
      %swap3A_181 = arith.index_cast %mul3A_180 : i32 to index
      %swap3A_182 = tpu.vector_load %arg5[%swap3A_181] {strides = array<i32>} : memref<10240xf32, #tpu.memory_space<vmem>>, vector<16xf32>,
      tpu.vector_store %arg5[%swap3A_181], %broadcast_in_dim3A_3 {strides = array<i32>} : memref<10240xf32, #tpu.memory_space<vmem>>, vector<16xf32>,
      %mul3A_183 = arith.constant 8 : i32
      %mul3A_184 = arith.muli %scan3A_150, %mul3A_183 : i32
      %add3A_185 = arith.constant 4 : i32
      %add3A_186 = arith.addi %mul3A_184, %add3A_185 : i32
      %mul3A_187 = arith.constant 16 : i32
      %mul3A_188 = arith.muli %add3A_186, %mul3A_187 : i32
      %swap3A_189 = arith.index_cast %mul3A_188 : i32 to index
      %swap3A_190 = tpu.vector_load %arg5[%swap3A_189] {strides = array<i32>} : memref<10240xf32, #tpu.memory_space<vmem>>, vector<16xf32>,
      tpu.vector_store %arg5[%swap3A_189], %broadcast_in_dim3A_3 {strides = array<i32>} : memref<10240xf32, #tpu.memory_space<vmem>>, vector<16xf32>,
      %mul3A_191 = arith.constant 8 : i32
      %mul3A_192 = arith.muli %scan3A_150, %mul3A_191 : i32
      %add3A_193 = arith.constant 5 : i32
      %add3A_194 = arith.addi %mul3A_192, %add3A_193 : i32
      %mul3A_195 = arith.constant 16 : i32
      %mul3A_196 = arith.muli %add3A_194, %mul3A_195 : i32
      %swap3A_197 = arith.index_cast %mul3A_196 : i32 to index
      %swap3A_198 = tpu.vector_load %arg5[%swap3A_197] {strides = array<i32>} : memref<10240xf32, #tpu.memory_space<vmem>>, vector<16xf32>,
      tpu.vector_store %arg5[%swap3A_197], %broadcast_in_dim3A_3 {strides = array<i32>} : memref<10240xf32, #tpu.memory_space<vmem>>, vector<16xf32>,
      %mul3A_199 = arith.constant 8 : i32
      %mul3A_200 = arith.muli %scan3A_150, %mul3A_199 : i32
      %add3A_201 = arith.constant 6 : i32
      %add3A_202 = arith.addi %mul3A_200, %add3A_201 : i32
      %mul3A_203 = arith.constant 16 : i32
      %mul3A_204 = arith.muli %add3A_202, %mul3A_203 : i32
      %swap3A_205 = arith.index_cast %mul3A_204 : i32 to index
      %swap3A_206 = tpu.vector_load %arg5[%swap3A_205] {strides = array<i32>} : memref<10240xf32, #tpu.memory_space<vmem>>, vector<16xf32>,
      tpu.vector_store %arg5[%swap3A_205], %broadcast_in_dim3A_3 {strides = array<i32>} : memref<10240xf32, #tpu.memory_space<vmem>>, vector<16xf32>,
      %mul3A_207 = arith.constant 8 : i32
      %mul3A_208 = arith.muli %scan3A_150, %mul3A_207 : i32
      %add3A_209 = arith.constant 7 : i32
      %add3A_210 = arith.addi %mul3A_208, %add3A_209 : i32
      %mul3A_211 = arith.constant 16 : i32
      %mul3A_212 = arith.muli %add3A_210, %mul3A_211 : i32
      %swap3A_213 = arith.index_cast %mul3A_212 : i32 to index
      %swap3A_214 = tpu.vector_load %arg5[%swap3A_213] {strides = array<i32>} : memref<10240xf32, #tpu.memory_space<vmem>>, vector<16xf32>,
      tpu.vector_store %arg5[%swap3A_213], %broadcast_in_dim3A_3 {strides = array<i32>} : memref<10240xf32, #tpu.memory_space<vmem>>, vector<16xf32>,
      %scan3A_215 = arith.constant 0 : i32
      scf.yield %scan3A_215 : i32
    }
    %scan3A_33 = arith.constant 80 : i32
    %dma_wait3A = arith.constant 0 : i32
    %dma_wait3A_34 = arith.constant 0 : i32
    %dma_wait3A_35 = tpu.memref_slice %arg4[%dma_wait3A, %dma_wait3A_34] : memref<2x20096xi32, #tpu.memory_space<vmem>> -> memref<2x10112xi32, #tpu.memory_space<vmem>>
    %dma_wait3A_36 = arith.constant 0 : i32
    %dma_wait3A_37 = tpu.memref_slice %arg2[%dma_wait3A_36, %multiple_of3A] : memref<2x320000xi32, #tpu.memory_space<hbm>> -> memref<2x10112xi32, #tpu.memory_space<hbm>>
    %dma_wait3A_38 = arith.constant 0 : i32
    %dma_wait3A_39 = arith.constant 0 : i32
    %dma_wait3A_40 = tpu.memref_slice %arg4[%dma_wait3A_38, %dma_wait3A_39] : memref<2x20096xi32, #tpu.memory_space<vmem>> -> memref<2x10112xi32, #tpu.memory_space<vmem>>
    %dma_wait3A_41 = arith.constant 0 : i32
    %dma_wait3A_42 = tpu.memref_slice %arg2[%dma_wait3A_41, %multiple_of3A] : memref<2x320000xi32, #tpu.memory_space<hbm>> -> memref<2x10112xi32, #tpu.memory_space<hbm>>
    tpu.wait_dma2 semaphore(%arg9 : memref<!tpu.dma_semaphore, #tpu.memory_space<semaphore_mem>>) src(%dma_wait3A_42 : memref<2x10112xi32, #tpu.memory_space<hbm>>) dst(%dma_wait3A_40 : memref<2x10112xi32, #tpu.memory_space<vmem>>)
    %get3A = arith.constant 1 : i32
    %get3A_43 = arith.index_cast %get3A : i32 to index
    %get3A_44 = arith.index_cast %sub3A_7 : i32 to index
    %get3A_45 = tpu.vector_load %arg4[%get3A_43, %get3A_44] {strides = array<i32>} : memref<2x20096xi32, #tpu.memory_space<vmem>>, vector<16xi32>,
    %add3A_46 = arith.constant 16 : i32
    %add3A_47 = arith.addi %sub3A_7, %add3A_46 : i32
    %get3A_48 = arith.constant 1 : i32
    %get3A_49 = arith.index_cast %get3A_48 : i32 to index
    %get3A_50 = arith.index_cast %add3A_47 : i32 to index
    %get3A_51 = tpu.vector_load %arg4[%get3A_49, %get3A_50] {strides = array<i32>} : memref<2x20096xi32, #tpu.memory_space<vmem>>, vector<16xi32>,
    %scan3A_52 = arith.constant 0 : i32
    %scan3A_53 = arith.constant 124 : i32
    %scan3A_54 = arith.addi %scan3A_52, %scan3A_53 : i32
    %scan3A_55 = arith.constant 1 : i32
    %scan3A_56:2 = scf.for %scan3A_150 = %scan3A_52 to %scan3A_54 step %scan3A_55 iter_args(%scan3A_151 = %get3A_45, %scan3A_152 = %get3A_51) -> (vector<16xi32>, vector<16xi32>)  : i32 {
      %mul3A_153 = arith.constant 5 : i32
      %mul3A_154 = arith.muli %scan3A_150, %mul3A_153 : i32
      %add3A_155 = arith.constant 0 : i32
      %add3A_156 = arith.addi %add3A_155, %mul3A_154 : i32
      %add3A_157 = arith.constant 0 : i32
      %add3A_158 = arith.addi %add3A_156, %add3A_157 : i32
      %add3A_159 = arith.constant 2 : i32
      %add3A_160 = arith.addi %add3A_158, %add3A_159 : i32
      %mul3A_161 = arith.constant 16 : i32
      %mul3A_162 = arith.muli %add3A_160, %mul3A_161 : i32
      %min3A = arith.constant 9904 : i32
      %min3A_163 = arith.minsi %mul3A_162, %min3A : i32
      %add3A_164 = arith.addi %sub3A_7, %min3A_163 : i32
      %get3A_165 = arith.constant 1 : i32
      %get3A_166 = arith.index_cast %get3A_165 : i32 to index
      %get3A_167 = arith.index_cast %add3A_164 : i32 to index
      %get3A_168 = tpu.vector_load %arg4[%get3A_166, %get3A_167] {strides = array<i32>} : memref<2x20096xi32, #tpu.memory_space<vmem>>, vector<16xi32>,
      tpu.vector_store_idx %arg5[%scan3A_151], %broadcast_in_dim3A_5 {add = true} : memref<10240xf32, #tpu.memory_space<vmem>>[vector<16xi32>], vector<16xf32>,
      %mul3A_169 = arith.constant 5 : i32
      %mul3A_170 = arith.muli %scan3A_150, %mul3A_169 : i32
      %add3A_171 = arith.constant 0 : i32
      %add3A_172 = arith.addi %add3A_171, %mul3A_170 : i32
      %add3A_173 = arith.constant 1 : i32
      %add3A_174 = arith.addi %add3A_172, %add3A_173 : i32
      %add3A_175 = arith.constant 2 : i32
      %add3A_176 = arith.addi %add3A_174, %add3A_175 : i32
      %mul3A_177 = arith.constant 16 : i32
      %mul3A_178 = arith.muli %add3A_176, %mul3A_177 : i32
      %min3A_179 = arith.constant 9904 : i32
      %min3A_180 = arith.minsi %mul3A_178, %min3A_179 : i32
      %add3A_181 = arith.addi %sub3A_7, %min3A_180 : i32
      %get3A_182 = arith.constant 1 : i32
      %get3A_183 = arith.index_cast %get3A_182 : i32 to index
      %get3A_184 = arith.index_cast %add3A_181 : i32 to index
      %get3A_185 = tpu.vector_load %arg4[%get3A_183, %get3A_184] {strides = array<i32>} : memref<2x20096xi32, #tpu.memory_space<vmem>>, vector<16xi32>,
      tpu.vector_store_idx %arg5[%scan3A_152], %broadcast_in_dim3A_5 {add = true} : memref<10240xf32, #tpu.memory_space<vmem>>[vector<16xi32>], vector<16xf32>,
      %mul3A_186 = arith.constant 5 : i32
      %mul3A_187 = arith.muli %scan3A_150, %mul3A_186 : i32
      %add3A_188 = arith.constant 0 : i32
      %add3A_189 = arith.addi %add3A_188, %mul3A_187 : i32
      %add3A_190 = arith.constant 2 : i32
      %add3A_191 = arith.addi %add3A_189, %add3A_190 : i32
      %add3A_192 = arith.constant 2 : i32
      %add3A_193 = arith.addi %add3A_191, %add3A_192 : i32
      %mul3A_194 = arith.constant 16 : i32
      %mul3A_195 = arith.muli %add3A_193, %mul3A_194 : i32
      %min3A_196 = arith.constant 9904 : i32
      %min3A_197 = arith.minsi %mul3A_195, %min3A_196 : i32
      %add3A_198 = arith.addi %sub3A_7, %min3A_197 : i32
      %get3A_199 = arith.constant 1 : i32
      %get3A_200 = arith.index_cast %get3A_199 : i32 to index
      %get3A_201 = arith.index_cast %add3A_198 : i32 to index
      %get3A_202 = tpu.vector_load %arg4[%get3A_200, %get3A_201] {strides = array<i32>} : memref<2x20096xi32, #tpu.memory_space<vmem>>, vector<16xi32>,
      tpu.vector_store_idx %arg5[%get3A_168], %broadcast_in_dim3A_5 {add = true} : memref<10240xf32, #tpu.memory_space<vmem>>[vector<16xi32>], vector<16xf32>,
      %mul3A_203 = arith.constant 5 : i32
      %mul3A_204 = arith.muli %scan3A_150, %mul3A_203 : i32
      %add3A_205 = arith.constant 0 : i32
      %add3A_206 = arith.addi %add3A_205, %mul3A_204 : i32
      %add3A_207 = arith.constant 3 : i32
      %add3A_208 = arith.addi %add3A_206, %add3A_207 : i32
      %add3A_209 = arith.constant 2 : i32
      %add3A_210 = arith.addi %add3A_208, %add3A_209 : i32
      %mul3A_211 = arith.constant 16 : i32
      %mul3A_212 = arith.muli %add3A_210, %mul3A_211 : i32
      %min3A_213 = arith.constant 9904 : i32
      %min3A_214 = arith.minsi %mul3A_212, %min3A_213 : i32
      %add3A_215 = arith.addi %sub3A_7, %min3A_214 : i32
      %get3A_216 = arith.constant 1 : i32
      %get3A_217 = arith.index_cast %get3A_216 : i32 to index
      %get3A_218 = arith.index_cast %add3A_215 : i32 to index
      %get3A_219 = tpu.vector_load %arg4[%get3A_217, %get3A_218] {strides = array<i32>} : memref<2x20096xi32, #tpu.memory_space<vmem>>, vector<16xi32>,
      tpu.vector_store_idx %arg5[%get3A_185], %broadcast_in_dim3A_5 {add = true} : memref<10240xf32, #tpu.memory_space<vmem>>[vector<16xi32>], vector<16xf32>,
      %mul3A_220 = arith.constant 5 : i32
      %mul3A_221 = arith.muli %scan3A_150, %mul3A_220 : i32
      %add3A_222 = arith.constant 0 : i32
      %add3A_223 = arith.addi %add3A_222, %mul3A_221 : i32
      %add3A_224 = arith.constant 4 : i32
      %add3A_225 = arith.addi %add3A_223, %add3A_224 : i32
      %add3A_226 = arith.constant 2 : i32
      %add3A_227 = arith.addi %add3A_225, %add3A_226 : i32
      %mul3A_228 = arith.constant 16 : i32
      %mul3A_229 = arith.muli %add3A_227, %mul3A_228 : i32
      %min3A_230 = arith.constant 9904 : i32
      %min3A_231 = arith.minsi %mul3A_229, %min3A_230 : i32
      %add3A_232 = arith.addi %sub3A_7, %min3A_231 : i32
      %get3A_233 = arith.constant 1 : i32
      %get3A_234 = arith.index_cast %get3A_233 : i32 to index
      %get3A_235 = arith.index_cast %add3A_232 : i32 to index
      %get3A_236 = tpu.vector_load %arg4[%get3A_234, %get3A_235] {strides = array<i32>} : memref<2x20096xi32, #tpu.memory_space<vmem>>, vector<16xi32>,
      tpu.vector_store_idx %arg5[%get3A_202], %broadcast_in_dim3A_5 {add = true} : memref<10240xf32, #tpu.memory_space<vmem>>[vector<16xi32>], vector<16xf32>,
      scf.yield %get3A_219, %get3A_236 : vector<16xi32>, vector<16xi32>
    }
    %scan3A_57 = arith.constant 124 : i32
    %dma_wait3A_58 = arith.constant 0 : i32
    %dma_wait3A_59 = arith.constant 10112 : i32
    %dma_wait3A_60 = tpu.memref_slice %arg4[%dma_wait3A_58, %dma_wait3A_59] : memref<2x20096xi32, #tpu.memory_space<vmem>> -> memref<2x9984xi32, #tpu.memory_space<vmem>>
    %dma_wait3A_61 = arith.constant 0 : i32
    %dma_wait3A_62 = tpu.memref_slice %arg2[%dma_wait3A_61, %add3A_17] : memref<2x320000xi32, #tpu.memory_space<hbm>> -> memref<2x9984xi32, #tpu.memory_space<hbm>>
    %dma_wait3A_63 = arith.constant 0 : i32
    %dma_wait3A_64 = arith.constant 10112 : i32
    %dma_wait3A_65 = tpu.memref_slice %arg4[%dma_wait3A_63, %dma_wait3A_64] : memref<2x20096xi32, #tpu.memory_space<vmem>> -> memref<2x9984xi32, #tpu.memory_space<vmem>>
    %dma_wait3A_66 = arith.constant 0 : i32
    %dma_wait3A_67 = tpu.memref_slice %arg2[%dma_wait3A_66, %add3A_17] : memref<2x320000xi32, #tpu.memory_space<hbm>> -> memref<2x9984xi32, #tpu.memory_space<hbm>>
    tpu.wait_dma2 semaphore(%arg10 : memref<!tpu.dma_semaphore, #tpu.memory_space<semaphore_mem>>) src(%dma_wait3A_67 : memref<2x9984xi32, #tpu.memory_space<hbm>>) dst(%dma_wait3A_65 : memref<2x9984xi32, #tpu.memory_space<vmem>>)
    %add3A_68 = arith.constant 9920 : i32
    %add3A_69 = arith.addi %sub3A_7, %add3A_68 : i32
    %get3A_70 = arith.constant 1 : i32
    %get3A_71 = arith.index_cast %get3A_70 : i32 to index
    %get3A_72 = arith.index_cast %add3A_69 : i32 to index
    %get3A_73 = tpu.vector_load %arg4[%get3A_71, %get3A_72] {strides = array<i32>} : memref<2x20096xi32, #tpu.memory_space<vmem>>, vector<16xi32>,
    %add3A_74 = arith.constant 9936 : i32
    %add3A_75 = arith.addi %sub3A_7, %add3A_74 : i32
    %get3A_76 = arith.constant 1 : i32
    %get3A_77 = arith.index_cast %get3A_76 : i32 to index
    %get3A_78 = arith.index_cast %add3A_75 : i32 to index
    %get3A_79 = tpu.vector_load %arg4[%get3A_77, %get3A_78] {strides = array<i32>} : memref<2x20096xi32, #tpu.memory_space<vmem>>, vector<16xi32>,
    %scan3A_80 = arith.constant 0 : i32
    %scan3A_81 = arith.constant 126 : i32
    %scan3A_82 = arith.addi %scan3A_80, %scan3A_81 : i32
    %scan3A_83 = arith.constant 1 : i32
    %scan3A_84:2 = scf.for %scan3A_150 = %scan3A_80 to %scan3A_82 step %scan3A_83 iter_args(%scan3A_151 = %get3A_73, %scan3A_152 = %get3A_79) -> (vector<16xi32>, vector<16xi32>)  : i32 {
      %mul3A_153 = arith.constant 5 : i32
      %mul3A_154 = arith.muli %scan3A_150, %mul3A_153 : i32
      %add3A_155 = arith.constant 620 : i32
      %add3A_156 = arith.addi %add3A_155, %mul3A_154 : i32
      %add3A_157 = arith.constant 0 : i32
      %add3A_158 = arith.addi %add3A_156, %add3A_157 : i32
      %add3A_159 = arith.constant 2 : i32
      %add3A_160 = arith.addi %add3A_158, %add3A_159 : i32
      %mul3A_161 = arith.constant 16 : i32
      %mul3A_162 = arith.muli %add3A_160, %mul3A_161 : i32
      %min3A = arith.constant 19984 : i32
      %min3A_163 = arith.minsi %mul3A_162, %min3A : i32
      %add3A_164 = arith.addi %sub3A_7, %min3A_163 : i32
      %get3A_165 = arith.constant 1 : i32
      %get3A_166 = arith.index_cast %get3A_165 : i32 to index
      %get3A_167 = arith.index_cast %add3A_164 : i32 to index
      %get3A_168 = tpu.vector_load %arg4[%get3A_166, %get3A_167] {strides = array<i32>} : memref<2x20096xi32, #tpu.memory_space<vmem>>, vector<16xi32>,
      tpu.vector_store_idx %arg5[%scan3A_151], %broadcast_in_dim3A_5 {add = true} : memref<10240xf32, #tpu.memory_space<vmem>>[vector<16xi32>], vector<16xf32>,
      %mul3A_169 = arith.constant 5 : i32
      %mul3A_170 = arith.muli %scan3A_150, %mul3A_169 : i32
      %add3A_171 = arith.constant 620 : i32
      %add3A_172 = arith.addi %add3A_171, %mul3A_170 : i32
      %add3A_173 = arith.constant 1 : i32
      %add3A_174 = arith.addi %add3A_172, %add3A_173 : i32
      %add3A_175 = arith.constant 2 : i32
      %add3A_176 = arith.addi %add3A_174, %add3A_175 : i32
      %mul3A_177 = arith.constant 16 : i32
      %mul3A_178 = arith.muli %add3A_176, %mul3A_177 : i32
      %min3A_179 = arith.constant 19984 : i32
      %min3A_180 = arith.minsi %mul3A_178, %min3A_179 : i32
      %add3A_181 = arith.addi %sub3A_7, %min3A_180 : i32
      %get3A_182 = arith.constant 1 : i32
      %get3A_183 = arith.index_cast %get3A_182 : i32 to index
      %get3A_184 = arith.index_cast %add3A_181 : i32 to index
      %get3A_185 = tpu.vector_load %arg4[%get3A_183, %get3A_184] {strides = array<i32>} : memref<2x20096xi32, #tpu.memory_space<vmem>>, vector<16xi32>,
      tpu.vector_store_idx %arg5[%scan3A_152], %broadcast_in_dim3A_5 {add = true} : memref<10240xf32, #tpu.memory_space<vmem>>[vector<16xi32>], vector<16xf32>,
      %mul3A_186 = arith.constant 5 : i32
      %mul3A_187 = arith.muli %scan3A_150, %mul3A_186 : i32
      %add3A_188 = arith.constant 620 : i32
      %add3A_189 = arith.addi %add3A_188, %mul3A_187 : i32
      %add3A_190 = arith.constant 2 : i32
      %add3A_191 = arith.addi %add3A_189, %add3A_190 : i32
      %add3A_192 = arith.constant 2 : i32
      %add3A_193 = arith.addi %add3A_191, %add3A_192 : i32
      %mul3A_194 = arith.constant 16 : i32
      %mul3A_195 = arith.muli %add3A_193, %mul3A_194 : i32
      %min3A_196 = arith.constant 19984 : i32
      %min3A_197 = arith.minsi %mul3A_195, %min3A_196 : i32
      %add3A_198 = arith.addi %sub3A_7, %min3A_197 : i32
      %get3A_199 = arith.constant 1 : i32
      %get3A_200 = arith.index_cast %get3A_199 : i32 to index
      %get3A_201 = arith.index_cast %add3A_198 : i32 to index
      %get3A_202 = tpu.vector_load %arg4[%get3A_200, %get3A_201] {strides = array<i32>} : memref<2x20096xi32, #tpu.memory_space<vmem>>, vector<16xi32>,
      tpu.vector_store_idx %arg5[%get3A_168], %broadcast_in_dim3A_5 {add = true} : memref<10240xf32, #tpu.memory_space<vmem>>[vector<16xi32>], vector<16xf32>,
      %mul3A_203 = arith.constant 5 : i32
      %mul3A_204 = arith.muli %scan3A_150, %mul3A_203 : i32
      %add3A_205 = arith.constant 620 : i32
      %add3A_206 = arith.addi %add3A_205, %mul3A_204 : i32
      %add3A_207 = arith.constant 3 : i32
      %add3A_208 = arith.addi %add3A_206, %add3A_207 : i32
      %add3A_209 = arith.constant 2 : i32
      %add3A_210 = arith.addi %add3A_208, %add3A_209 : i32
      %mul3A_211 = arith.constant 16 : i32
      %mul3A_212 = arith.muli %add3A_210, %mul3A_211 : i32
      %min3A_213 = arith.constant 19984 : i32
      %min3A_214 = arith.minsi %mul3A_212, %min3A_213 : i32
      %add3A_215 = arith.addi %sub3A_7, %min3A_214 : i32
      %get3A_216 = arith.constant 1 : i32
      %get3A_217 = arith.index_cast %get3A_216 : i32 to index
      %get3A_218 = arith.index_cast %add3A_215 : i32 to index
      %get3A_219 = tpu.vector_load %arg4[%get3A_217, %get3A_218] {strides = array<i32>} : memref<2x20096xi32, #tpu.memory_space<vmem>>, vector<16xi32>,
      tpu.vector_store_idx %arg5[%get3A_185], %broadcast_in_dim3A_5 {add = true} : memref<10240xf32, #tpu.memory_space<vmem>>[vector<16xi32>], vector<16xf32>,
      %mul3A_220 = arith.constant 5 : i32
      %mul3A_221 = arith.muli %scan3A_150, %mul3A_220 : i32
      %add3A_222 = arith.constant 620 : i32
      %add3A_223 = arith.addi %add3A_222, %mul3A_221 : i32
      %add3A_224 = arith.constant 4 : i32
      %add3A_225 = arith.addi %add3A_223, %add3A_224 : i32
      %add3A_226 = arith.constant 2 : i32
      %add3A_227 = arith.addi %add3A_225, %add3A_226 : i32
      %mul3A_228 = arith.constant 16 : i32
      %mul3A_229 = arith.muli %add3A_227, %mul3A_228 : i32
      %min3A_230 = arith.constant 19984 : i32
      %min3A_231 = arith.minsi %mul3A_229, %min3A_230 : i32
      %add3A_232 = arith.addi %sub3A_7, %min3A_231 : i32
      %get3A_233 = arith.constant 1 : i32
      %get3A_234 = arith.index_cast %get3A_233 : i32 to index
      %get3A_235 = arith.index_cast %add3A_232 : i32 to index
      %get3A_236 = tpu.vector_load %arg4[%get3A_234, %get3A_235] {strides = array<i32>} : memref<2x20096xi32, #tpu.memory_space<vmem>>, vector<16xi32>,
      tpu.vector_store_idx %arg5[%get3A_202], %broadcast_in_dim3A_5 {add = true} : memref<10240xf32, #tpu.memory_space<vmem>>[vector<16xi32>], vector<16xf32>,
      scf.yield %get3A_219, %get3A_236 : vector<16xi32>, vector<16xi32>
    }
    %scan3A_85 = arith.constant 126 : i32
    "tpu.region"() ({
      %run_scoped3A = tpu.sem_alloc : memref<!tpu.dma_semaphore, #tpu.memory_space<semaphore_mem>>
      %dma_start3A_150 = arith.constant 0 : i32
      %dma_start3A_151 = tpu.memref_slice %arg11[%arg1, %dma_start3A_150] : memref<16x10240xf32, #tpu.memory_space<vmem_shared>> -> memref<1x10240xf32, #tpu.memory_space<vmem_shared>>
      %dma_start3A_152 = tpu.memref_squeeze %dma_start3A_151 : memref<1x10240xf32, #tpu.memory_space<vmem_shared>> -> memref<10240xf32, #tpu.memory_space<vmem_shared>>
      %dma_start3A_153 = arith.constant 0 : i32
      %dma_start3A_154 = tpu.memref_slice %arg11[%arg1, %dma_start3A_153] : memref<16x10240xf32, #tpu.memory_space<vmem_shared>> -> memref<1x10240xf32, #tpu.memory_space<vmem_shared>>
      %dma_start3A_155 = tpu.memref_squeeze %dma_start3A_154 : memref<1x10240xf32, #tpu.memory_space<vmem_shared>> -> memref<10240xf32, #tpu.memory_space<vmem_shared>>
      tpu.enqueue_dma source(%arg5 : memref<10240xf32, #tpu.memory_space<vmem>>) target(%dma_start3A_155 : memref<10240xf32, #tpu.memory_space<vmem_shared>>) target_semaphore(%run_scoped3A : memref<!tpu.dma_semaphore, #tpu.memory_space<semaphore_mem>>)
      %dma_wait3A_156 = arith.constant 0 : i32
      %dma_wait3A_157 = tpu.memref_slice %arg11[%arg1, %dma_wait3A_156] : memref<16x10240xf32, #tpu.memory_space<vmem_shared>> -> memref<1x10240xf32, #tpu.memory_space<vmem_shared>>
      %dma_wait3A_158 = tpu.memref_squeeze %dma_wait3A_157 : memref<1x10240xf32, #tpu.memory_space<vmem_shared>> -> memref<10240xf32, #tpu.memory_space<vmem_shared>>
      %dma_wait3A_159 = arith.constant 0 : i32
      %dma_wait3A_160 = tpu.memref_slice %arg11[%arg1, %dma_wait3A_159] : memref<16x10240xf32, #tpu.memory_space<vmem_shared>> -> memref<1x10240xf32, #tpu.memory_space<vmem_shared>>
      %dma_wait3A_161 = tpu.memref_squeeze %dma_wait3A_160 : memref<1x10240xf32, #tpu.memory_space<vmem_shared>> -> memref<10240xf32, #tpu.memory_space<vmem_shared>>
      tpu.wait_dma2 semaphore(%run_scoped3A : memref<!tpu.dma_semaphore, #tpu.memory_space<semaphore_mem>>) src(%arg5 : memref<10240xf32, #tpu.memory_space<vmem>>) dst(%dma_wait3A_161 : memref<10240xf32, #tpu.memory_space<vmem_shared>>)
      tpu.yield
    }) : () -> ()
    %barrier3A = arith.constant 0 : index
    tpu.barrier barrier_id(%barrier3A)
    "tpu.region"() ({
      %run_scoped3A = tpu.sem_alloc : memref<!tpu.dma_semaphore, #tpu.memory_space<semaphore_mem>>
      %dma_start3A_150 = arith.constant 0 : i32
      %dma_start3A_151 = tpu.memref_slice %arg11[%dma_start3A_150, %mul3A_2] : memref<16x10240xf32, #tpu.memory_space<vmem_shared>> -> memref<16x640xf32, #tpu.memory_space<vmem_shared>>
      %dma_start3A_152 = arith.constant 0 : i32
      %dma_start3A_153 = tpu.memref_slice %arg11[%dma_start3A_152, %mul3A_2] : memref<16x10240xf32, #tpu.memory_space<vmem_shared>> -> memref<16x640xf32, #tpu.memory_space<vmem_shared>>
      tpu.enqueue_dma source(%dma_start3A_153 : memref<16x640xf32, #tpu.memory_space<vmem_shared>>) target(%arg7 : memref<16x640xf32, #tpu.memory_space<vmem>>) target_semaphore(%run_scoped3A : memref<!tpu.dma_semaphore, #tpu.memory_space<semaphore_mem>>)
      %dma_wait3A_154 = arith.constant 0 : i32
      %dma_wait3A_155 = tpu.memref_slice %arg11[%dma_wait3A_154, %mul3A_2] : memref<16x10240xf32, #tpu.memory_space<vmem_shared>> -> memref<16x640xf32, #tpu.memory_space<vmem_shared>>
      %dma_wait3A_156 = arith.constant 0 : i32
      %dma_wait3A_157 = tpu.memref_slice %arg11[%dma_wait3A_156, %mul3A_2] : memref<16x10240xf32, #tpu.memory_space<vmem_shared>> -> memref<16x640xf32, #tpu.memory_space<vmem_shared>>
      tpu.wait_dma2 semaphore(%run_scoped3A : memref<!tpu.dma_semaphore, #tpu.memory_space<semaphore_mem>>) src(%dma_wait3A_157 : memref<16x640xf32, #tpu.memory_space<vmem_shared>>) dst(%arg7 : memref<16x640xf32, #tpu.memory_space<vmem>>)
      tpu.yield
    }) : () -> ()
    %scan3A_86 = arith.constant 0 : i32
    %scan3A_87 = arith.constant 0 : i32
    %scan3A_88 = arith.constant 40 : i32
    %scan3A_89 = arith.addi %scan3A_87, %scan3A_88 : i32
    %scan3A_90 = arith.constant 1 : i32
    %scan3A_91 = scf.for %scan3A_150 = %scan3A_87 to %scan3A_89 step %scan3A_90 iter_args(%scan3A_151 = %scan3A_86) -> (i32)  : i32 {
      %mul3A_152 = arith.constant 16 : i32
      %mul3A_153 = arith.muli %scan3A_150, %mul3A_152 : i32
      %get3A_154 = arith.constant 0 : i32
      %get3A_155 = arith.index_cast %get3A_154 : i32 to index
      %get3A_156 = arith.index_cast %mul3A_153 : i32 to index
      %get3A_157 = tpu.vector_load %arg7[%get3A_155, %get3A_156] {strides = array<i32>} : memref<16x640xf32, #tpu.memory_space<vmem>>, vector<16xf32>,
      %mul3A_158 = arith.constant 16 : i32
      %mul3A_159 = arith.muli %scan3A_150, %mul3A_158 : i32
      %get3A_160 = arith.constant 1 : i32
      %get3A_161 = arith.index_cast %get3A_160 : i32 to index
      %get3A_162 = arith.index_cast %mul3A_159 : i32 to index
      %get3A_163 = tpu.vector_load %arg7[%get3A_161, %get3A_162] {strides = array<i32>} : memref<16x640xf32, #tpu.memory_space<vmem>>, vector<16xf32>,
      %mul3A_164 = arith.constant 16 : i32
      %mul3A_165 = arith.muli %scan3A_150, %mul3A_164 : i32
      %get3A_166 = arith.constant 2 : i32
      %get3A_167 = arith.index_cast %get3A_166 : i32 to index
      %get3A_168 = arith.index_cast %mul3A_165 : i32 to index
      %get3A_169 = tpu.vector_load %arg7[%get3A_167, %get3A_168] {strides = array<i32>} : memref<16x640xf32, #tpu.memory_space<vmem>>, vector<16xf32>,
      %mul3A_170 = arith.constant 16 : i32
      %mul3A_171 = arith.muli %scan3A_150, %mul3A_170 : i32
      %get3A_172 = arith.constant 3 : i32
      %get3A_173 = arith.index_cast %get3A_172 : i32 to index
      %get3A_174 = arith.index_cast %mul3A_171 : i32 to index
      %get3A_175 = tpu.vector_load %arg7[%get3A_173, %get3A_174] {strides = array<i32>} : memref<16x640xf32, #tpu.memory_space<vmem>>, vector<16xf32>,
      %mul3A_176 = arith.constant 16 : i32
      %mul3A_177 = arith.muli %scan3A_150, %mul3A_176 : i32
      %get3A_178 = arith.constant 4 : i32
      %get3A_179 = arith.index_cast %get3A_178 : i32 to index
      %get3A_180 = arith.index_cast %mul3A_177 : i32 to index
      %get3A_181 = tpu.vector_load %arg7[%get3A_179, %get3A_180] {strides = array<i32>} : memref<16x640xf32, #tpu.memory_space<vmem>>, vector<16xf32>,
      %mul3A_182 = arith.constant 16 : i32
      %mul3A_183 = arith.muli %scan3A_150, %mul3A_182 : i32
      %get3A_184 = arith.constant 5 : i32
      %get3A_185 = arith.index_cast %get3A_184 : i32 to index
      %get3A_186 = arith.index_cast %mul3A_183 : i32 to index
      %get3A_187 = tpu.vector_load %arg7[%get3A_185, %get3A_186] {strides = array<i32>} : memref<16x640xf32, #tpu.memory_space<vmem>>, vector<16xf32>,
      %mul3A_188 = arith.constant 16 : i32
      %mul3A_189 = arith.muli %scan3A_150, %mul3A_188 : i32
      %get3A_190 = arith.constant 6 : i32
      %get3A_191 = arith.index_cast %get3A_190 : i32 to index
      %get3A_192 = arith.index_cast %mul3A_189 : i32 to index
      %get3A_193 = tpu.vector_load %arg7[%get3A_191, %get3A_192] {strides = array<i32>} : memref<16x640xf32, #tpu.memory_space<vmem>>, vector<16xf32>,
      %mul3A_194 = arith.constant 16 : i32
      %mul3A_195 = arith.muli %scan3A_150, %mul3A_194 : i32
      %get3A_196 = arith.constant 7 : i32
      %get3A_197 = arith.index_cast %get3A_196 : i32 to index
      %get3A_198 = arith.index_cast %mul3A_195 : i32 to index
      %get3A_199 = tpu.vector_load %arg7[%get3A_197, %get3A_198] {strides = array<i32>} : memref<16x640xf32, #tpu.memory_space<vmem>>, vector<16xf32>,
      %mul3A_200 = arith.constant 16 : i32
      %mul3A_201 = arith.muli %scan3A_150, %mul3A_200 : i32
      %get3A_202 = arith.constant 8 : i32
      %get3A_203 = arith.index_cast %get3A_202 : i32 to index
      %get3A_204 = arith.index_cast %mul3A_201 : i32 to index
      %get3A_205 = tpu.vector_load %arg7[%get3A_203, %get3A_204] {strides = array<i32>} : memref<16x640xf32, #tpu.memory_space<vmem>>, vector<16xf32>,
      %mul3A_206 = arith.constant 16 : i32
      %mul3A_207 = arith.muli %scan3A_150, %mul3A_206 : i32
      %get3A_208 = arith.constant 9 : i32
      %get3A_209 = arith.index_cast %get3A_208 : i32 to index
      %get3A_210 = arith.index_cast %mul3A_207 : i32 to index
      %get3A_211 = tpu.vector_load %arg7[%get3A_209, %get3A_210] {strides = array<i32>} : memref<16x640xf32, #tpu.memory_space<vmem>>, vector<16xf32>,
      %mul3A_212 = arith.constant 16 : i32
      %mul3A_213 = arith.muli %scan3A_150, %mul3A_212 : i32
      %get3A_214 = arith.constant 10 : i32
      %get3A_215 = arith.index_cast %get3A_214 : i32 to index
      %get3A_216 = arith.index_cast %mul3A_213 : i32 to index
      %get3A_217 = tpu.vector_load %arg7[%get3A_215, %get3A_216] {strides = array<i32>} : memref<16x640xf32, #tpu.memory_space<vmem>>, vector<16xf32>,
      %mul3A_218 = arith.constant 16 : i32
      %mul3A_219 = arith.muli %scan3A_150, %mul3A_218 : i32
      %get3A_220 = arith.constant 11 : i32
      %get3A_221 = arith.index_cast %get3A_220 : i32 to index
      %get3A_222 = arith.index_cast %mul3A_219 : i32 to index
      %get3A_223 = tpu.vector_load %arg7[%get3A_221, %get3A_222] {strides = array<i32>} : memref<16x640xf32, #tpu.memory_space<vmem>>, vector<16xf32>,
      %mul3A_224 = arith.constant 16 : i32
      %mul3A_225 = arith.muli %scan3A_150, %mul3A_224 : i32
      %get3A_226 = arith.constant 12 : i32
      %get3A_227 = arith.index_cast %get3A_226 : i32 to index
      %get3A_228 = arith.index_cast %mul3A_225 : i32 to index
      %get3A_229 = tpu.vector_load %arg7[%get3A_227, %get3A_228] {strides = array<i32>} : memref<16x640xf32, #tpu.memory_space<vmem>>, vector<16xf32>,
      %mul3A_230 = arith.constant 16 : i32
      %mul3A_231 = arith.muli %scan3A_150, %mul3A_230 : i32
      %get3A_232 = arith.constant 13 : i32
      %get3A_233 = arith.index_cast %get3A_232 : i32 to index
      %get3A_234 = arith.index_cast %mul3A_231 : i32 to index
      %get3A_235 = tpu.vector_load %arg7[%get3A_233, %get3A_234] {strides = array<i32>} : memref<16x640xf32, #tpu.memory_space<vmem>>, vector<16xf32>,
      %mul3A_236 = arith.constant 16 : i32
      %mul3A_237 = arith.muli %scan3A_150, %mul3A_236 : i32
      %get3A_238 = arith.constant 14 : i32
      %get3A_239 = arith.index_cast %get3A_238 : i32 to index
      %get3A_240 = arith.index_cast %mul3A_237 : i32 to index
      %get3A_241 = tpu.vector_load %arg7[%get3A_239, %get3A_240] {strides = array<i32>} : memref<16x640xf32, #tpu.memory_space<vmem>>, vector<16xf32>,
      %mul3A_242 = arith.constant 16 : i32
      %mul3A_243 = arith.muli %scan3A_150, %mul3A_242 : i32
      %get3A_244 = arith.constant 15 : i32
      %get3A_245 = arith.index_cast %get3A_244 : i32 to index
      %get3A_246 = arith.index_cast %mul3A_243 : i32 to index
      %get3A_247 = tpu.vector_load %arg7[%get3A_245, %get3A_246] {strides = array<i32>} : memref<16x640xf32, #tpu.memory_space<vmem>>, vector<16xf32>,
      %add3A_248 = arith.addf %get3A_157, %get3A_163 : vector<16xf32>
      %add3A_249 = arith.addf %get3A_169, %get3A_175 : vector<16xf32>
      %add3A_250 = arith.addf %get3A_181, %get3A_187 : vector<16xf32>
      %add3A_251 = arith.addf %get3A_193, %get3A_199 : vector<16xf32>
      %add3A_252 = arith.addf %get3A_205, %get3A_211 : vector<16xf32>
      %add3A_253 = arith.addf %get3A_217, %get3A_223 : vector<16xf32>
      %add3A_254 = arith.addf %get3A_229, %get3A_235 : vector<16xf32>
      %add3A_255 = arith.addf %get3A_241, %get3A_247 : vector<16xf32>
      %add3A_256 = arith.addf %add3A_248, %add3A_249 : vector<16xf32>
      %add3A_257 = arith.addf %add3A_250, %add3A_251 : vector<16xf32>
      %add3A_258 = arith.addf %add3A_252, %add3A_253 : vector<16xf32>
      %add3A_259 = arith.addf %add3A_254, %add3A_255 : vector<16xf32>
      %add3A_260 = arith.addf %add3A_256, %add3A_257 : vector<16xf32>
      %add3A_261 = arith.addf %add3A_258, %add3A_259 : vector<16xf32>
      %add3A_262 = arith.addf %add3A_260, %add3A_261 : vector<16xf32>
      %add3A_263 = arith.constant 1.000000e+00 : f32
      %add3A_264 = vector.broadcast %add3A_263 : f32 to vector<16xf32>
      %add3A_265 = arith.addf %add3A_262, %add3A_264 : vector<16xf32>
      %bitcast_convert_type3A = tpu.bitcast %add3A_265 : vector<16xf32> -> vector<16xi32>
      %shift_right_logical3A = arith.constant 1 : i32
      %shift_right_logical3A_266 = vector.broadcast %shift_right_logical3A : i32 to vector<16xi32>
      %shift_right_logical3A_267 = arith.shrui %bitcast_convert_type3A, %shift_right_logical3A_266 : vector<16xi32>
      %sub3A_268 = arith.constant 1597463007 : i32
      %sub3A_269 = vector.broadcast %sub3A_268 : i32 to vector<16xi32>
      %sub3A_270 = arith.subi %sub3A_269, %shift_right_logical3A_267 : vector<16xi32>
      %bitcast_convert_type3A_271 = tpu.bitcast %sub3A_270 : vector<16xi32> -> vector<16xf32>
      %mul3A_272 = arith.constant 5.000000e-01 : f32
      %mul3A_273 = vector.broadcast %mul3A_272 : f32 to vector<16xf32>
      %mul3A_274 = arith.mulf %mul3A_273, %add3A_265 : vector<16xf32>
      %mul3A_275 = arith.mulf %mul3A_274, %bitcast_convert_type3A_271 : vector<16xf32>
      %mul3A_276 = arith.mulf %mul3A_275, %bitcast_convert_type3A_271 : vector<16xf32>
      %sub3A_277 = arith.constant 1.500000e+00 : f32
      %sub3A_278 = vector.broadcast %sub3A_277 : f32 to vector<16xf32>
      %sub3A_279 = arith.subf %sub3A_278, %mul3A_276 : vector<16xf32>
      %mul3A_280 = arith.mulf %bitcast_convert_type3A_271, %sub3A_279 : vector<16xf32>
      %mul3A_281 = arith.constant 5.000000e-01 : f32
      %mul3A_282 = vector.broadcast %mul3A_281 : f32 to vector<16xf32>
      %mul3A_283 = arith.mulf %mul3A_282, %add3A_265 : vector<16xf32>
      %mul3A_284 = arith.mulf %mul3A_283, %mul3A_280 : vector<16xf32>
      %mul3A_285 = arith.mulf %mul3A_284, %mul3A_280 : vector<16xf32>
      %sub3A_286 = arith.constant 1.500000e+00 : f32
      %sub3A_287 = vector.broadcast %sub3A_286 : f32 to vector<16xf32>
      %sub3A_288 = arith.subf %sub3A_287, %mul3A_285 : vector<16xf32>
      %mul3A_289 = arith.mulf %mul3A_280, %sub3A_288 : vector<16xf32>
      %mul3A_290 = arith.constant 5.000000e-01 : f32
      %mul3A_291 = vector.broadcast %mul3A_290 : f32 to vector<16xf32>
      %mul3A_292 = arith.mulf %mul3A_291, %add3A_265 : vector<16xf32>
      %mul3A_293 = arith.mulf %mul3A_292, %mul3A_289 : vector<16xf32>
      %mul3A_294 = arith.mulf %mul3A_293, %mul3A_289 : vector<16xf32>
      %sub3A_295 = arith.constant 1.500000e+00 : f32
      %sub3A_296 = vector.broadcast %sub3A_295 : f32 to vector<16xf32>
      %sub3A_297 = arith.subf %sub3A_296, %mul3A_294 : vector<16xf32>
      %mul3A_298 = arith.mulf %mul3A_289, %sub3A_297 : vector<16xf32>
      %mul3A_299 = arith.constant 16 : i32
      %mul3A_300 = arith.muli %scan3A_150, %mul3A_299 : i32
      %swap3A = arith.index_cast %mul3A_300 : i32 to index
      %swap3A_301 = tpu.vector_load %arg8[%swap3A] {strides = array<i32>} : memref<640xf32, #tpu.memory_space<vmem>>, vector<16xf32>,
      tpu.vector_store %arg8[%swap3A], %mul3A_298 {strides = array<i32>} : memref<640xf32, #tpu.memory_space<vmem>>, vector<16xf32>,
      %scan3A_302 = arith.constant 0 : i32
      scf.yield %scan3A_302 : i32
    }
    %scan3A_92 = arith.constant 40 : i32
    "tpu.region"() ({
      %run_scoped3A = tpu.sem_alloc : memref<!tpu.dma_semaphore, #tpu.memory_space<semaphore_mem>>
      %dma_start3A_150 = tpu.memref_slice %arg12[%mul3A_2] : memref<10240xf32, #tpu.memory_space<vmem_shared>> -> memref<640xf32, #tpu.memory_space<vmem_shared>>
      %dma_start3A_151 = tpu.memref_slice %arg12[%mul3A_2] : memref<10240xf32, #tpu.memory_space<vmem_shared>> -> memref<640xf32, #tpu.memory_space<vmem_shared>>
      tpu.enqueue_dma source(%arg8 : memref<640xf32, #tpu.memory_space<vmem>>) target(%dma_start3A_151 : memref<640xf32, #tpu.memory_space<vmem_shared>>) target_semaphore(%run_scoped3A : memref<!tpu.dma_semaphore, #tpu.memory_space<semaphore_mem>>)
      %dma_wait3A_152 = tpu.memref_slice %arg12[%mul3A_2] : memref<10240xf32, #tpu.memory_space<vmem_shared>> -> memref<640xf32, #tpu.memory_space<vmem_shared>>
      %dma_wait3A_153 = tpu.memref_slice %arg12[%mul3A_2] : memref<10240xf32, #tpu.memory_space<vmem_shared>> -> memref<640xf32, #tpu.memory_space<vmem_shared>>
      tpu.wait_dma2 semaphore(%run_scoped3A : memref<!tpu.dma_semaphore, #tpu.memory_space<semaphore_mem>>) src(%arg8 : memref<640xf32, #tpu.memory_space<vmem>>) dst(%dma_wait3A_153 : memref<640xf32, #tpu.memory_space<vmem_shared>>)
      tpu.yield
    }) : () -> ()
    %barrier3A_93 = arith.constant 0 : index
    tpu.barrier barrier_id(%barrier3A_93)
    "tpu.region"() ({
      %run_scoped3A = tpu.sem_alloc : memref<!tpu.dma_semaphore, #tpu.memory_space<semaphore_mem>>
      tpu.enqueue_dma source(%arg12 : memref<10240xf32, #tpu.memory_space<vmem_shared>>) target(%arg6 : memref<10240xf32, #tpu.memory_space<vmem>>) target_semaphore(%run_scoped3A : memref<!tpu.dma_semaphore, #tpu.memory_space<semaphore_mem>>)
      tpu.wait_dma2 semaphore(%run_scoped3A : memref<!tpu.dma_semaphore, #tpu.memory_space<semaphore_mem>>) src(%arg12 : memref<10240xf32, #tpu.memory_space<vmem_shared>>) dst(%arg6 : memref<10240xf32, #tpu.memory_space<vmem>>)
      tpu.yield
    }) : () -> ()
    %eq3A = arith.constant 0 : i32
    %eq3A_94 = arith.cmpi eq, %arg0, %eq3A : i32
    %convert_element_type3A = arith.extui %eq3A_94 : i1 to i32
    %cond3A = arith.constant 0 : i32
    %cond3A_95 = arith.cmpi ne, %convert_element_type3A, %cond3A : i32
    scf.if %cond3A_95 {
      %add3A_150 = arith.constant 20480 : i32
      %add3A_151 = arith.addi %add3A_150, %mul3A_2 : i32
      "tpu.region"() ({
        %run_scoped3A = tpu.sem_alloc : memref<!tpu.dma_semaphore, #tpu.memory_space<semaphore_mem>>
        %dma_start3A_152 = tpu.memref_slice %arg3[%add3A_151] : memref<30720xf32, #tpu.memory_space<hbm>> -> memref<640xf32, #tpu.memory_space<hbm>>
        %dma_start3A_153 = tpu.memref_slice %arg3[%add3A_151] : memref<30720xf32, #tpu.memory_space<hbm>> -> memref<640xf32, #tpu.memory_space<hbm>>
        tpu.enqueue_dma source(%arg8 : memref<640xf32, #tpu.memory_space<vmem>>) target(%dma_start3A_153 : memref<640xf32, #tpu.memory_space<hbm>>) target_semaphore(%run_scoped3A : memref<!tpu.dma_semaphore, #tpu.memory_space<semaphore_mem>>)
        %dma_wait3A_154 = tpu.memref_slice %arg3[%add3A_151] : memref<30720xf32, #tpu.memory_space<hbm>> -> memref<640xf32, #tpu.memory_space<hbm>>
        %dma_wait3A_155 = tpu.memref_slice %arg3[%add3A_151] : memref<30720xf32, #tpu.memory_space<hbm>> -> memref<640xf32, #tpu.memory_space<hbm>>
        tpu.wait_dma2 semaphore(%run_scoped3A : memref<!tpu.dma_semaphore, #tpu.memory_space<semaphore_mem>>) src(%arg8 : memref<640xf32, #tpu.memory_space<vmem>>) dst(%dma_wait3A_155 : memref<640xf32, #tpu.memory_space<hbm>>)
        tpu.yield
      }) : () -> ()
    } else {
    }
    %scan3A_96 = arith.constant 0 : i32
    %scan3A_97 = arith.constant 0 : i32
    %scan3A_98 = arith.constant 80 : i32
    %scan3A_99 = arith.addi %scan3A_97, %scan3A_98 : i32
    %scan3A_100 = arith.constant 1 : i32
    %scan3A_101 = scf.for %scan3A_150 = %scan3A_97 to %scan3A_99 step %scan3A_100 iter_args(%scan3A_151 = %scan3A_96) -> (i32)  : i32 {
      %mul3A_152 = arith.constant 8 : i32
      %mul3A_153 = arith.muli %scan3A_150, %mul3A_152 : i32
      %add3A_154 = arith.constant 0 : i32
      %add3A_155 = arith.addi %mul3A_153, %add3A_154 : i32
      %mul3A_156 = arith.constant 16 : i32
      %mul3A_157 = arith.muli %add3A_155, %mul3A_156 : i32
      %swap3A = arith.index_cast %mul3A_157 : i32 to index
      %swap3A_158 = tpu.vector_load %arg5[%swap3A] {strides = array<i32>} : memref<10240xf32, #tpu.memory_space<vmem>>, vector<16xf32>,
      tpu.vector_store %arg5[%swap3A], %broadcast_in_dim3A_3 {strides = array<i32>} : memref<10240xf32, #tpu.memory_space<vmem>>, vector<16xf32>,
      %mul3A_159 = arith.constant 8 : i32
      %mul3A_160 = arith.muli %scan3A_150, %mul3A_159 : i32
      %add3A_161 = arith.constant 1 : i32
      %add3A_162 = arith.addi %mul3A_160, %add3A_161 : i32
      %mul3A_163 = arith.constant 16 : i32
      %mul3A_164 = arith.muli %add3A_162, %mul3A_163 : i32
      %swap3A_165 = arith.index_cast %mul3A_164 : i32 to index
      %swap3A_166 = tpu.vector_load %arg5[%swap3A_165] {strides = array<i32>} : memref<10240xf32, #tpu.memory_space<vmem>>, vector<16xf32>,
      tpu.vector_store %arg5[%swap3A_165], %broadcast_in_dim3A_3 {strides = array<i32>} : memref<10240xf32, #tpu.memory_space<vmem>>, vector<16xf32>,
      %mul3A_167 = arith.constant 8 : i32
      %mul3A_168 = arith.muli %scan3A_150, %mul3A_167 : i32
      %add3A_169 = arith.constant 2 : i32
      %add3A_170 = arith.addi %mul3A_168, %add3A_169 : i32
      %mul3A_171 = arith.constant 16 : i32
      %mul3A_172 = arith.muli %add3A_170, %mul3A_171 : i32
      %swap3A_173 = arith.index_cast %mul3A_172 : i32 to index
      %swap3A_174 = tpu.vector_load %arg5[%swap3A_173] {strides = array<i32>} : memref<10240xf32, #tpu.memory_space<vmem>>, vector<16xf32>,
      tpu.vector_store %arg5[%swap3A_173], %broadcast_in_dim3A_3 {strides = array<i32>} : memref<10240xf32, #tpu.memory_space<vmem>>, vector<16xf32>,
      %mul3A_175 = arith.constant 8 : i32
      %mul3A_176 = arith.muli %scan3A_150, %mul3A_175 : i32
      %add3A_177 = arith.constant 3 : i32
      %add3A_178 = arith.addi %mul3A_176, %add3A_177 : i32
      %mul3A_179 = arith.constant 16 : i32
      %mul3A_180 = arith.muli %add3A_178, %mul3A_179 : i32
      %swap3A_181 = arith.index_cast %mul3A_180 : i32 to index
      %swap3A_182 = tpu.vector_load %arg5[%swap3A_181] {strides = array<i32>} : memref<10240xf32, #tpu.memory_space<vmem>>, vector<16xf32>,
      tpu.vector_store %arg5[%swap3A_181], %broadcast_in_dim3A_3 {strides = array<i32>} : memref<10240xf32, #tpu.memory_space<vmem>>, vector<16xf32>,
      %mul3A_183 = arith.constant 8 : i32
      %mul3A_184 = arith.muli %scan3A_150, %mul3A_183 : i32
      %add3A_185 = arith.constant 4 : i32
      %add3A_186 = arith.addi %mul3A_184, %add3A_185 : i32
      %mul3A_187 = arith.constant 16 : i32
      %mul3A_188 = arith.muli %add3A_186, %mul3A_187 : i32
      %swap3A_189 = arith.index_cast %mul3A_188 : i32 to index
      %swap3A_190 = tpu.vector_load %arg5[%swap3A_189] {strides = array<i32>} : memref<10240xf32, #tpu.memory_space<vmem>>, vector<16xf32>,
      tpu.vector_store %arg5[%swap3A_189], %broadcast_in_dim3A_3 {strides = array<i32>} : memref<10240xf32, #tpu.memory_space<vmem>>, vector<16xf32>,
      %mul3A_191 = arith.constant 8 : i32
      %mul3A_192 = arith.muli %scan3A_150, %mul3A_191 : i32
      %add3A_193 = arith.constant 5 : i32
      %add3A_194 = arith.addi %mul3A_192, %add3A_193 : i32
      %mul3A_195 = arith.constant 16 : i32
      %mul3A_196 = arith.muli %add3A_194, %mul3A_195 : i32
      %swap3A_197 = arith.index_cast %mul3A_196 : i32 to index
      %swap3A_198 = tpu.vector_load %arg5[%swap3A_197] {strides = array<i32>} : memref<10240xf32, #tpu.memory_space<vmem>>, vector<16xf32>,
      tpu.vector_store %arg5[%swap3A_197], %broadcast_in_dim3A_3 {strides = array<i32>} : memref<10240xf32, #tpu.memory_space<vmem>>, vector<16xf32>,
      %mul3A_199 = arith.constant 8 : i32
      %mul3A_200 = arith.muli %scan3A_150, %mul3A_199 : i32
      %add3A_201 = arith.constant 6 : i32
      %add3A_202 = arith.addi %mul3A_200, %add3A_201 : i32
      %mul3A_203 = arith.constant 16 : i32
      %mul3A_204 = arith.muli %add3A_202, %mul3A_203 : i32
      %swap3A_205 = arith.index_cast %mul3A_204 : i32 to index
      %swap3A_206 = tpu.vector_load %arg5[%swap3A_205] {strides = array<i32>} : memref<10240xf32, #tpu.memory_space<vmem>>, vector<16xf32>,
      tpu.vector_store %arg5[%swap3A_205], %broadcast_in_dim3A_3 {strides = array<i32>} : memref<10240xf32, #tpu.memory_space<vmem>>, vector<16xf32>,
      %mul3A_207 = arith.constant 8 : i32
      %mul3A_208 = arith.muli %scan3A_150, %mul3A_207 : i32
      %add3A_209 = arith.constant 7 : i32
      %add3A_210 = arith.addi %mul3A_208, %add3A_209 : i32
      %mul3A_211 = arith.constant 16 : i32
      %mul3A_212 = arith.muli %add3A_210, %mul3A_211 : i32
      %swap3A_213 = arith.index_cast %mul3A_212 : i32 to index
      %swap3A_214 = tpu.vector_load %arg5[%swap3A_213] {strides = array<i32>} : memref<10240xf32, #tpu.memory_space<vmem>>, vector<16xf32>,
      tpu.vector_store %arg5[%swap3A_213], %broadcast_in_dim3A_3 {strides = array<i32>} : memref<10240xf32, #tpu.memory_space<vmem>>, vector<16xf32>,
      %scan3A_215 = arith.constant 0 : i32
      scf.yield %scan3A_215 : i32
    }
    %scan3A_102 = arith.constant 80 : i32
    %mul3A_103 = arith.constant 10000 : i32
    %mul3A_104 = arith.muli %arg0, %mul3A_103 : i32
    %add3A_105 = arith.addi %sub3A_7, %mul3A_104 : i32
    %get3A_106 = arith.constant 1 : i32
    %get3A_107 = arith.index_cast %get3A_106 : i32 to index
    %get3A_108 = arith.index_cast %add3A_105 : i32 to index
    %get3A_109 = tpu.vector_load %arg4[%get3A_107, %get3A_108] {strides = array<i32>} : memref<2x20096xi32, #tpu.memory_space<vmem>>, vector<16xi32>,
    %get3A_110 = arith.constant 0 : i32
    %get3A_111 = arith.index_cast %get3A_110 : i32 to index
    %get3A_112 = arith.index_cast %add3A_105 : i32 to index
    %get3A_113 = tpu.vector_load %arg4[%get3A_111, %get3A_112] {strides = array<i32>} : memref<2x20096xi32, #tpu.memory_space<vmem>>, vector<16xi32>,
    %gather3A = tpu.vector_load_idx %arg6[%get3A_109] : memref<10240xf32, #tpu.memory_space<vmem>>[vector<16xi32>], vector<16xf32>,
    %add3A_114 = arith.constant 16 : i32
    %add3A_115 = arith.addi %add3A_105, %add3A_114 : i32
    %get3A_116 = arith.constant 0 : i32
    %get3A_117 = arith.index_cast %get3A_116 : i32 to index
    %get3A_118 = arith.index_cast %add3A_115 : i32 to index
    %get3A_119 = tpu.vector_load %arg4[%get3A_117, %get3A_118] {strides = array<i32>} : memref<2x20096xi32, #tpu.memory_space<vmem>>, vector<16xi32>,
    %add3A_120 = arith.constant 16 : i32
    %add3A_121 = arith.addi %add3A_105, %add3A_120 : i32
    %get3A_122 = arith.constant 1 : i32
    %get3A_123 = arith.index_cast %get3A_122 : i32 to index
    %get3A_124 = arith.index_cast %add3A_121 : i32 to index
    %get3A_125 = tpu.vector_load %arg4[%get3A_123, %get3A_124] {strides = array<i32>} : memref<2x20096xi32, #tpu.memory_space<vmem>>, vector<16xi32>,
    %scan3A_126 = arith.constant 0 : i32
    %scan3A_127 = arith.constant 125 : i32
    %scan3A_128 = arith.addi %scan3A_126, %scan3A_127 : i32
    %scan3A_129 = arith.constant 1 : i32
    %scan3A_130:4 = scf.for %scan3A_150 = %scan3A_126 to %scan3A_128 step %scan3A_129 iter_args(%scan3A_151 = %get3A_113, %scan3A_152 = %gather3A, %scan3A_153 = %get3A_119, %scan3A_154 = %get3A_125) -> (vector<16xi32>, vector<16xf32>, vector<16xi32>, vector<16xi32>)  : i32 {
      %mul3A_155 = arith.constant 5 : i32
      %mul3A_156 = arith.muli %scan3A_150, %mul3A_155 : i32
      %add3A_157 = arith.constant 0 : i32
      %add3A_158 = arith.addi %mul3A_156, %add3A_157 : i32
      %add3A_159 = arith.constant 2 : i32
      %add3A_160 = arith.addi %add3A_158, %add3A_159 : i32
      %mul3A_161 = arith.constant 16 : i32
      %mul3A_162 = arith.muli %add3A_160, %mul3A_161 : i32
      %min3A = arith.constant 9984 : i32
      %min3A_163 = arith.minsi %mul3A_162, %min3A : i32
      %add3A_164 = arith.addi %add3A_105, %min3A_163 : i32
      %get3A_165 = arith.constant 0 : i32
      %get3A_166 = arith.index_cast %get3A_165 : i32 to index
      %get3A_167 = arith.index_cast %add3A_164 : i32 to index
      %get3A_168 = tpu.vector_load %arg4[%get3A_166, %get3A_167] {strides = array<i32>} : memref<2x20096xi32, #tpu.memory_space<vmem>>, vector<16xi32>,
      %get3A_169 = arith.constant 1 : i32
      %get3A_170 = arith.index_cast %get3A_169 : i32 to index
      %get3A_171 = arith.index_cast %add3A_164 : i32 to index
      %get3A_172 = tpu.vector_load %arg4[%get3A_170, %get3A_171] {strides = array<i32>} : memref<2x20096xi32, #tpu.memory_space<vmem>>, vector<16xi32>,
      %gather3A_173 = tpu.vector_load_idx %arg6[%scan3A_154] : memref<10240xf32, #tpu.memory_space<vmem>>[vector<16xi32>], vector<16xf32>,
      tpu.vector_store_idx %arg5[%scan3A_151], %scan3A_152 {add = true} : memref<10240xf32, #tpu.memory_space<vmem>>[vector<16xi32>], vector<16xf32>,
      %mul3A_174 = arith.constant 5 : i32
      %mul3A_175 = arith.muli %scan3A_150, %mul3A_174 : i32
      %add3A_176 = arith.constant 1 : i32
      %add3A_177 = arith.addi %mul3A_175, %add3A_176 : i32
      %add3A_178 = arith.constant 2 : i32
      %add3A_179 = arith.addi %add3A_177, %add3A_178 : i32
      %mul3A_180 = arith.constant 16 : i32
      %mul3A_181 = arith.muli %add3A_179, %mul3A_180 : i32
      %min3A_182 = arith.constant 9984 : i32
      %min3A_183 = arith.minsi %mul3A_181, %min3A_182 : i32
      %add3A_184 = arith.addi %add3A_105, %min3A_183 : i32
      %get3A_185 = arith.constant 0 : i32
      %get3A_186 = arith.index_cast %get3A_185 : i32 to index
      %get3A_187 = arith.index_cast %add3A_184 : i32 to index
      %get3A_188 = tpu.vector_load %arg4[%get3A_186, %get3A_187] {strides = array<i32>} : memref<2x20096xi32, #tpu.memory_space<vmem>>, vector<16xi32>,
      %get3A_189 = arith.constant 1 : i32
      %get3A_190 = arith.index_cast %get3A_189 : i32 to index
      %get3A_191 = arith.index_cast %add3A_184 : i32 to index
      %get3A_192 = tpu.vector_load %arg4[%get3A_190, %get3A_191] {strides = array<i32>} : memref<2x20096xi32, #tpu.memory_space<vmem>>, vector<16xi32>,
      %gather3A_193 = tpu.vector_load_idx %arg6[%get3A_172] : memref<10240xf32, #tpu.memory_space<vmem>>[vector<16xi32>], vector<16xf32>,
      tpu.vector_store_idx %arg5[%scan3A_153], %gather3A_173 {add = true} : memref<10240xf32, #tpu.memory_space<vmem>>[vector<16xi32>], vector<16xf32>,
      %mul3A_194 = arith.constant 5 : i32
      %mul3A_195 = arith.muli %scan3A_150, %mul3A_194 : i32
      %add3A_196 = arith.constant 2 : i32
      %add3A_197 = arith.addi %mul3A_195, %add3A_196 : i32
      %add3A_198 = arith.constant 2 : i32
      %add3A_199 = arith.addi %add3A_197, %add3A_198 : i32
      %mul3A_200 = arith.constant 16 : i32
      %mul3A_201 = arith.muli %add3A_199, %mul3A_200 : i32
      %min3A_202 = arith.constant 9984 : i32
      %min3A_203 = arith.minsi %mul3A_201, %min3A_202 : i32
      %add3A_204 = arith.addi %add3A_105, %min3A_203 : i32
      %get3A_205 = arith.constant 0 : i32
      %get3A_206 = arith.index_cast %get3A_205 : i32 to index
      %get3A_207 = arith.index_cast %add3A_204 : i32 to index
      %get3A_208 = tpu.vector_load %arg4[%get3A_206, %get3A_207] {strides = array<i32>} : memref<2x20096xi32, #tpu.memory_space<vmem>>, vector<16xi32>,
      %get3A_209 = arith.constant 1 : i32
      %get3A_210 = arith.index_cast %get3A_209 : i32 to index
      %get3A_211 = arith.index_cast %add3A_204 : i32 to index
      %get3A_212 = tpu.vector_load %arg4[%get3A_210, %get3A_211] {strides = array<i32>} : memref<2x20096xi32, #tpu.memory_space<vmem>>, vector<16xi32>,
      %gather3A_213 = tpu.vector_load_idx %arg6[%get3A_192] : memref<10240xf32, #tpu.memory_space<vmem>>[vector<16xi32>], vector<16xf32>,
      tpu.vector_store_idx %arg5[%get3A_168], %gather3A_193 {add = true} : memref<10240xf32, #tpu.memory_space<vmem>>[vector<16xi32>], vector<16xf32>,
      %mul3A_214 = arith.constant 5 : i32
      %mul3A_215 = arith.muli %scan3A_150, %mul3A_214 : i32
      %add3A_216 = arith.constant 3 : i32
      %add3A_217 = arith.addi %mul3A_215, %add3A_216 : i32
      %add3A_218 = arith.constant 2 : i32
      %add3A_219 = arith.addi %add3A_217, %add3A_218 : i32
      %mul3A_220 = arith.constant 16 : i32
      %mul3A_221 = arith.muli %add3A_219, %mul3A_220 : i32
      %min3A_222 = arith.constant 9984 : i32
      %min3A_223 = arith.minsi %mul3A_221, %min3A_222 : i32
      %add3A_224 = arith.addi %add3A_105, %min3A_223 : i32
      %get3A_225 = arith.constant 0 : i32
      %get3A_226 = arith.index_cast %get3A_225 : i32 to index
      %get3A_227 = arith.index_cast %add3A_224 : i32 to index
      %get3A_228 = tpu.vector_load %arg4[%get3A_226, %get3A_227] {strides = array<i32>} : memref<2x20096xi32, #tpu.memory_space<vmem>>, vector<16xi32>,
      %get3A_229 = arith.constant 1 : i32
      %get3A_230 = arith.index_cast %get3A_229 : i32 to index
      %get3A_231 = arith.index_cast %add3A_224 : i32 to index
      %get3A_232 = tpu.vector_load %arg4[%get3A_230, %get3A_231] {strides = array<i32>} : memref<2x20096xi32, #tpu.memory_space<vmem>>, vector<16xi32>,
      %gather3A_233 = tpu.vector_load_idx %arg6[%get3A_212] : memref<10240xf32, #tpu.memory_space<vmem>>[vector<16xi32>], vector<16xf32>,
      tpu.vector_store_idx %arg5[%get3A_188], %gather3A_213 {add = true} : memref<10240xf32, #tpu.memory_space<vmem>>[vector<16xi32>], vector<16xf32>,
      %mul3A_234 = arith.constant 5 : i32
      %mul3A_235 = arith.muli %scan3A_150, %mul3A_234 : i32
      %add3A_236 = arith.constant 4 : i32
      %add3A_237 = arith.addi %mul3A_235, %add3A_236 : i32
      %add3A_238 = arith.constant 2 : i32
      %add3A_239 = arith.addi %add3A_237, %add3A_238 : i32
      %mul3A_240 = arith.constant 16 : i32
      %mul3A_241 = arith.muli %add3A_239, %mul3A_240 : i32
      %min3A_242 = arith.constant 9984 : i32
      %min3A_243 = arith.minsi %mul3A_241, %min3A_242 : i32
      %add3A_244 = arith.addi %add3A_105, %min3A_243 : i32
      %get3A_245 = arith.constant 0 : i32
      %get3A_246 = arith.index_cast %get3A_245 : i32 to index
      %get3A_247 = arith.index_cast %add3A_244 : i32 to index
      %get3A_248 = tpu.vector_load %arg4[%get3A_246, %get3A_247] {strides = array<i32>} : memref<2x20096xi32, #tpu.memory_space<vmem>>, vector<16xi32>,
      %get3A_249 = arith.constant 1 : i32
      %get3A_250 = arith.index_cast %get3A_249 : i32 to index
      %get3A_251 = arith.index_cast %add3A_244 : i32 to index
      %get3A_252 = tpu.vector_load %arg4[%get3A_250, %get3A_251] {strides = array<i32>} : memref<2x20096xi32, #tpu.memory_space<vmem>>, vector<16xi32>,
      %gather3A_253 = tpu.vector_load_idx %arg6[%get3A_232] : memref<10240xf32, #tpu.memory_space<vmem>>[vector<16xi32>], vector<16xf32>,
      tpu.vector_store_idx %arg5[%get3A_208], %gather3A_233 {add = true} : memref<10240xf32, #tpu.memory_space<vmem>>[vector<16xi32>], vector<16xf32>,
      scf.yield %get3A_228, %gather3A_253, %get3A_248, %get3A_252 : vector<16xi32>, vector<16xf32>, vector<16xi32>, vector<16xi32>
    }
    %scan3A_131 = arith.constant 125 : i32
    "tpu.region"() ({
      %run_scoped3A = tpu.sem_alloc : memref<!tpu.dma_semaphore, #tpu.memory_space<semaphore_mem>>
      %dma_start3A_150 = arith.constant 0 : i32
      %dma_start3A_151 = tpu.memref_slice %arg11[%arg1, %dma_start3A_150] : memref<16x10240xf32, #tpu.memory_space<vmem_shared>> -> memref<1x10240xf32, #tpu.memory_space<vmem_shared>>
      %dma_start3A_152 = tpu.memref_squeeze %dma_start3A_151 : memref<1x10240xf32, #tpu.memory_space<vmem_shared>> -> memref<10240xf32, #tpu.memory_space<vmem_shared>>
      %dma_start3A_153 = arith.constant 0 : i32
      %dma_start3A_154 = tpu.memref_slice %arg11[%arg1, %dma_start3A_153] : memref<16x10240xf32, #tpu.memory_space<vmem_shared>> -> memref<1x10240xf32, #tpu.memory_space<vmem_shared>>
      %dma_start3A_155 = tpu.memref_squeeze %dma_start3A_154 : memref<1x10240xf32, #tpu.memory_space<vmem_shared>> -> memref<10240xf32, #tpu.memory_space<vmem_shared>>
      tpu.enqueue_dma source(%arg5 : memref<10240xf32, #tpu.memory_space<vmem>>) target(%dma_start3A_155 : memref<10240xf32, #tpu.memory_space<vmem_shared>>) target_semaphore(%run_scoped3A : memref<!tpu.dma_semaphore, #tpu.memory_space<semaphore_mem>>)
      %dma_wait3A_156 = arith.constant 0 : i32
      %dma_wait3A_157 = tpu.memref_slice %arg11[%arg1, %dma_wait3A_156] : memref<16x10240xf32, #tpu.memory_space<vmem_shared>> -> memref<1x10240xf32, #tpu.memory_space<vmem_shared>>
      %dma_wait3A_158 = tpu.memref_squeeze %dma_wait3A_157 : memref<1x10240xf32, #tpu.memory_space<vmem_shared>> -> memref<10240xf32, #tpu.memory_space<vmem_shared>>
      %dma_wait3A_159 = arith.constant 0 : i32
      %dma_wait3A_160 = tpu.memref_slice %arg11[%arg1, %dma_wait3A_159] : memref<16x10240xf32, #tpu.memory_space<vmem_shared>> -> memref<1x10240xf32, #tpu.memory_space<vmem_shared>>
      %dma_wait3A_161 = tpu.memref_squeeze %dma_wait3A_160 : memref<1x10240xf32, #tpu.memory_space<vmem_shared>> -> memref<10240xf32, #tpu.memory_space<vmem_shared>>
      tpu.wait_dma2 semaphore(%run_scoped3A : memref<!tpu.dma_semaphore, #tpu.memory_space<semaphore_mem>>) src(%arg5 : memref<10240xf32, #tpu.memory_space<vmem>>) dst(%dma_wait3A_161 : memref<10240xf32, #tpu.memory_space<vmem_shared>>)
      tpu.yield
    }) : () -> ()
    %barrier3A_132 = arith.constant 0 : index
    tpu.barrier barrier_id(%barrier3A_132)
    "tpu.region"() ({
      %run_scoped3A = tpu.sem_alloc : memref<!tpu.dma_semaphore, #tpu.memory_space<semaphore_mem>>
      %dma_start3A_150 = arith.constant 0 : i32
      %dma_start3A_151 = tpu.memref_slice %arg11[%dma_start3A_150, %mul3A_2] : memref<16x10240xf32, #tpu.memory_space<vmem_shared>> -> memref<16x640xf32, #tpu.memory_space<vmem_shared>>
      %dma_start3A_152 = arith.constant 0 : i32
      %dma_start3A_153 = tpu.memref_slice %arg11[%dma_start3A_152, %mul3A_2] : memref<16x10240xf32, #tpu.memory_space<vmem_shared>> -> memref<16x640xf32, #tpu.memory_space<vmem_shared>>
      tpu.enqueue_dma source(%dma_start3A_153 : memref<16x640xf32, #tpu.memory_space<vmem_shared>>) target(%arg7 : memref<16x640xf32, #tpu.memory_space<vmem>>) target_semaphore(%run_scoped3A : memref<!tpu.dma_semaphore, #tpu.memory_space<semaphore_mem>>)
      %dma_wait3A_154 = arith.constant 0 : i32
      %dma_wait3A_155 = tpu.memref_slice %arg11[%dma_wait3A_154, %mul3A_2] : memref<16x10240xf32, #tpu.memory_space<vmem_shared>> -> memref<16x640xf32, #tpu.memory_space<vmem_shared>>
      %dma_wait3A_156 = arith.constant 0 : i32
      %dma_wait3A_157 = tpu.memref_slice %arg11[%dma_wait3A_156, %mul3A_2] : memref<16x10240xf32, #tpu.memory_space<vmem_shared>> -> memref<16x640xf32, #tpu.memory_space<vmem_shared>>
      tpu.wait_dma2 semaphore(%run_scoped3A : memref<!tpu.dma_semaphore, #tpu.memory_space<semaphore_mem>>) src(%dma_wait3A_157 : memref<16x640xf32, #tpu.memory_space<vmem_shared>>) dst(%arg7 : memref<16x640xf32, #tpu.memory_space<vmem>>)
      tpu.yield
    }) : () -> ()
    %scan3A_133 = arith.constant 0 : i32
    %scan3A_134 = arith.constant 0 : i32
    %scan3A_135 = arith.constant 40 : i32
    %scan3A_136 = arith.addi %scan3A_134, %scan3A_135 : i32
    %scan3A_137 = arith.constant 1 : i32
    %scan3A_138 = scf.for %scan3A_150 = %scan3A_134 to %scan3A_136 step %scan3A_137 iter_args(%scan3A_151 = %scan3A_133) -> (i32)  : i32 {
      %mul3A_152 = arith.constant 16 : i32
      %mul3A_153 = arith.muli %scan3A_150, %mul3A_152 : i32
      %get3A_154 = arith.constant 0 : i32
      %get3A_155 = arith.index_cast %get3A_154 : i32 to index
      %get3A_156 = arith.index_cast %mul3A_153 : i32 to index
      %get3A_157 = tpu.vector_load %arg7[%get3A_155, %get3A_156] {strides = array<i32>} : memref<16x640xf32, #tpu.memory_space<vmem>>, vector<16xf32>,
      %mul3A_158 = arith.constant 16 : i32
      %mul3A_159 = arith.muli %scan3A_150, %mul3A_158 : i32
      %get3A_160 = arith.constant 1 : i32
      %get3A_161 = arith.index_cast %get3A_160 : i32 to index
      %get3A_162 = arith.index_cast %mul3A_159 : i32 to index
      %get3A_163 = tpu.vector_load %arg7[%get3A_161, %get3A_162] {strides = array<i32>} : memref<16x640xf32, #tpu.memory_space<vmem>>, vector<16xf32>,
      %mul3A_164 = arith.constant 16 : i32
      %mul3A_165 = arith.muli %scan3A_150, %mul3A_164 : i32
      %get3A_166 = arith.constant 2 : i32
      %get3A_167 = arith.index_cast %get3A_166 : i32 to index
      %get3A_168 = arith.index_cast %mul3A_165 : i32 to index
      %get3A_169 = tpu.vector_load %arg7[%get3A_167, %get3A_168] {strides = array<i32>} : memref<16x640xf32, #tpu.memory_space<vmem>>, vector<16xf32>,
      %mul3A_170 = arith.constant 16 : i32
      %mul3A_171 = arith.muli %scan3A_150, %mul3A_170 : i32
      %get3A_172 = arith.constant 3 : i32
      %get3A_173 = arith.index_cast %get3A_172 : i32 to index
      %get3A_174 = arith.index_cast %mul3A_171 : i32 to index
      %get3A_175 = tpu.vector_load %arg7[%get3A_173, %get3A_174] {strides = array<i32>} : memref<16x640xf32, #tpu.memory_space<vmem>>, vector<16xf32>,
      %mul3A_176 = arith.constant 16 : i32
      %mul3A_177 = arith.muli %scan3A_150, %mul3A_176 : i32
      %get3A_178 = arith.constant 4 : i32
      %get3A_179 = arith.index_cast %get3A_178 : i32 to index
      %get3A_180 = arith.index_cast %mul3A_177 : i32 to index
      %get3A_181 = tpu.vector_load %arg7[%get3A_179, %get3A_180] {strides = array<i32>} : memref<16x640xf32, #tpu.memory_space<vmem>>, vector<16xf32>,
      %mul3A_182 = arith.constant 16 : i32
      %mul3A_183 = arith.muli %scan3A_150, %mul3A_182 : i32
      %get3A_184 = arith.constant 5 : i32
      %get3A_185 = arith.index_cast %get3A_184 : i32 to index
      %get3A_186 = arith.index_cast %mul3A_183 : i32 to index
      %get3A_187 = tpu.vector_load %arg7[%get3A_185, %get3A_186] {strides = array<i32>} : memref<16x640xf32, #tpu.memory_space<vmem>>, vector<16xf32>,
      %mul3A_188 = arith.constant 16 : i32
      %mul3A_189 = arith.muli %scan3A_150, %mul3A_188 : i32
      %get3A_190 = arith.constant 6 : i32
      %get3A_191 = arith.index_cast %get3A_190 : i32 to index
      %get3A_192 = arith.index_cast %mul3A_189 : i32 to index
      %get3A_193 = tpu.vector_load %arg7[%get3A_191, %get3A_192] {strides = array<i32>} : memref<16x640xf32, #tpu.memory_space<vmem>>, vector<16xf32>,
      %mul3A_194 = arith.constant 16 : i32
      %mul3A_195 = arith.muli %scan3A_150, %mul3A_194 : i32
      %get3A_196 = arith.constant 7 : i32
      %get3A_197 = arith.index_cast %get3A_196 : i32 to index
      %get3A_198 = arith.index_cast %mul3A_195 : i32 to index
      %get3A_199 = tpu.vector_load %arg7[%get3A_197, %get3A_198] {strides = array<i32>} : memref<16x640xf32, #tpu.memory_space<vmem>>, vector<16xf32>,
      %mul3A_200 = arith.constant 16 : i32
      %mul3A_201 = arith.muli %scan3A_150, %mul3A_200 : i32
      %get3A_202 = arith.constant 8 : i32
      %get3A_203 = arith.index_cast %get3A_202 : i32 to index
      %get3A_204 = arith.index_cast %mul3A_201 : i32 to index
      %get3A_205 = tpu.vector_load %arg7[%get3A_203, %get3A_204] {strides = array<i32>} : memref<16x640xf32, #tpu.memory_space<vmem>>, vector<16xf32>,
      %mul3A_206 = arith.constant 16 : i32
      %mul3A_207 = arith.muli %scan3A_150, %mul3A_206 : i32
      %get3A_208 = arith.constant 9 : i32
      %get3A_209 = arith.index_cast %get3A_208 : i32 to index
      %get3A_210 = arith.index_cast %mul3A_207 : i32 to index
      %get3A_211 = tpu.vector_load %arg7[%get3A_209, %get3A_210] {strides = array<i32>} : memref<16x640xf32, #tpu.memory_space<vmem>>, vector<16xf32>,
      %mul3A_212 = arith.constant 16 : i32
      %mul3A_213 = arith.muli %scan3A_150, %mul3A_212 : i32
      %get3A_214 = arith.constant 10 : i32
      %get3A_215 = arith.index_cast %get3A_214 : i32 to index
      %get3A_216 = arith.index_cast %mul3A_213 : i32 to index
      %get3A_217 = tpu.vector_load %arg7[%get3A_215, %get3A_216] {strides = array<i32>} : memref<16x640xf32, #tpu.memory_space<vmem>>, vector<16xf32>,
      %mul3A_218 = arith.constant 16 : i32
      %mul3A_219 = arith.muli %scan3A_150, %mul3A_218 : i32
      %get3A_220 = arith.constant 11 : i32
      %get3A_221 = arith.index_cast %get3A_220 : i32 to index
      %get3A_222 = arith.index_cast %mul3A_219 : i32 to index
      %get3A_223 = tpu.vector_load %arg7[%get3A_221, %get3A_222] {strides = array<i32>} : memref<16x640xf32, #tpu.memory_space<vmem>>, vector<16xf32>,
      %mul3A_224 = arith.constant 16 : i32
      %mul3A_225 = arith.muli %scan3A_150, %mul3A_224 : i32
      %get3A_226 = arith.constant 12 : i32
      %get3A_227 = arith.index_cast %get3A_226 : i32 to index
      %get3A_228 = arith.index_cast %mul3A_225 : i32 to index
      %get3A_229 = tpu.vector_load %arg7[%get3A_227, %get3A_228] {strides = array<i32>} : memref<16x640xf32, #tpu.memory_space<vmem>>, vector<16xf32>,
      %mul3A_230 = arith.constant 16 : i32
      %mul3A_231 = arith.muli %scan3A_150, %mul3A_230 : i32
      %get3A_232 = arith.constant 13 : i32
      %get3A_233 = arith.index_cast %get3A_232 : i32 to index
      %get3A_234 = arith.index_cast %mul3A_231 : i32 to index
      %get3A_235 = tpu.vector_load %arg7[%get3A_233, %get3A_234] {strides = array<i32>} : memref<16x640xf32, #tpu.memory_space<vmem>>, vector<16xf32>,
      %mul3A_236 = arith.constant 16 : i32
      %mul3A_237 = arith.muli %scan3A_150, %mul3A_236 : i32
      %get3A_238 = arith.constant 14 : i32
      %get3A_239 = arith.index_cast %get3A_238 : i32 to index
      %get3A_240 = arith.index_cast %mul3A_237 : i32 to index
      %get3A_241 = tpu.vector_load %arg7[%get3A_239, %get3A_240] {strides = array<i32>} : memref<16x640xf32, #tpu.memory_space<vmem>>, vector<16xf32>,
      %mul3A_242 = arith.constant 16 : i32
      %mul3A_243 = arith.muli %scan3A_150, %mul3A_242 : i32
      %get3A_244 = arith.constant 15 : i32
      %get3A_245 = arith.index_cast %get3A_244 : i32 to index
      %get3A_246 = arith.index_cast %mul3A_243 : i32 to index
      %get3A_247 = tpu.vector_load %arg7[%get3A_245, %get3A_246] {strides = array<i32>} : memref<16x640xf32, #tpu.memory_space<vmem>>, vector<16xf32>,
      %add3A_248 = arith.addf %get3A_157, %get3A_163 : vector<16xf32>
      %add3A_249 = arith.addf %get3A_169, %get3A_175 : vector<16xf32>
      %add3A_250 = arith.addf %get3A_181, %get3A_187 : vector<16xf32>
      %add3A_251 = arith.addf %get3A_193, %get3A_199 : vector<16xf32>
      %add3A_252 = arith.addf %get3A_205, %get3A_211 : vector<16xf32>
      %add3A_253 = arith.addf %get3A_217, %get3A_223 : vector<16xf32>
      %add3A_254 = arith.addf %get3A_229, %get3A_235 : vector<16xf32>
      %add3A_255 = arith.addf %get3A_241, %get3A_247 : vector<16xf32>
      %add3A_256 = arith.addf %add3A_248, %add3A_249 : vector<16xf32>
      %add3A_257 = arith.addf %add3A_250, %add3A_251 : vector<16xf32>
      %add3A_258 = arith.addf %add3A_252, %add3A_253 : vector<16xf32>
      %add3A_259 = arith.addf %add3A_254, %add3A_255 : vector<16xf32>
      %add3A_260 = arith.addf %add3A_256, %add3A_257 : vector<16xf32>
      %add3A_261 = arith.addf %add3A_258, %add3A_259 : vector<16xf32>
      %add3A_262 = arith.addf %add3A_260, %add3A_261 : vector<16xf32>
      %mul3A_263 = arith.constant 16 : i32
      %mul3A_264 = arith.muli %scan3A_150, %mul3A_263 : i32
      %swap3A = arith.index_cast %mul3A_264 : i32 to index
      %swap3A_265 = tpu.vector_load %arg8[%swap3A] {strides = array<i32>} : memref<640xf32, #tpu.memory_space<vmem>>, vector<16xf32>,
      tpu.vector_store %arg8[%swap3A], %add3A_262 {strides = array<i32>} : memref<640xf32, #tpu.memory_space<vmem>>, vector<16xf32>,
      %scan3A_266 = arith.constant 0 : i32
      scf.yield %scan3A_266 : i32
    }
    %scan3A_139 = arith.constant 40 : i32
    %eq3A_140 = arith.constant 0 : i32
    %eq3A_141 = arith.cmpi eq, %arg0, %eq3A_140 : i32
    %convert_element_type3A_142 = arith.extui %eq3A_141 : i1 to i32
    %cond3A_143 = arith.constant 0 : i32
    %cond3A_144 = arith.cmpi ne, %convert_element_type3A_142, %cond3A_143 : i32
    scf.if %cond3A_144 {
      "tpu.region"() ({
        %run_scoped3A = tpu.sem_alloc : memref<!tpu.dma_semaphore, #tpu.memory_space<semaphore_mem>>
        %dma_start3A_150 = tpu.memref_slice %arg3[%mul3A_2] : memref<30720xf32, #tpu.memory_space<hbm>> -> memref<640xf32, #tpu.memory_space<hbm>>
        %dma_start3A_151 = tpu.memref_slice %arg3[%mul3A_2] : memref<30720xf32, #tpu.memory_space<hbm>> -> memref<640xf32, #tpu.memory_space<hbm>>
        tpu.enqueue_dma source(%arg8 : memref<640xf32, #tpu.memory_space<vmem>>) target(%dma_start3A_151 : memref<640xf32, #tpu.memory_space<hbm>>) target_semaphore(%run_scoped3A : memref<!tpu.dma_semaphore, #tpu.memory_space<semaphore_mem>>)
        %dma_wait3A_152 = tpu.memref_slice %arg3[%mul3A_2] : memref<30720xf32, #tpu.memory_space<hbm>> -> memref<640xf32, #tpu.memory_space<hbm>>
        %dma_wait3A_153 = tpu.memref_slice %arg3[%mul3A_2] : memref<30720xf32, #tpu.memory_space<hbm>> -> memref<640xf32, #tpu.memory_space<hbm>>
        tpu.wait_dma2 semaphore(%run_scoped3A : memref<!tpu.dma_semaphore, #tpu.memory_space<semaphore_mem>>) src(%arg8 : memref<640xf32, #tpu.memory_space<vmem>>) dst(%dma_wait3A_153 : memref<640xf32, #tpu.memory_space<hbm>>)
        tpu.yield
      }) : () -> ()
    } else {
    }
    %eq3A_145 = arith.constant 1 : i32
    %eq3A_146 = arith.cmpi eq, %arg0, %eq3A_145 : i32
    %convert_element_type3A_147 = arith.extui %eq3A_146 : i1 to i32
    %cond3A_148 = arith.constant 0 : i32
    %cond3A_149 = arith.cmpi ne, %convert_element_type3A_147, %cond3A_148 : i32
    scf.if %cond3A_149 {
      %add3A_150 = arith.constant 10240 : i32
      %add3A_151 = arith.addi %add3A_150, %mul3A_2 : i32
      "tpu.region"() ({
        %run_scoped3A = tpu.sem_alloc : memref<!tpu.dma_semaphore, #tpu.memory_space<semaphore_mem>>
        %dma_start3A_152 = tpu.memref_slice %arg3[%add3A_151] : memref<30720xf32, #tpu.memory_space<hbm>> -> memref<640xf32, #tpu.memory_space<hbm>>
        %dma_start3A_153 = tpu.memref_slice %arg3[%add3A_151] : memref<30720xf32, #tpu.memory_space<hbm>> -> memref<640xf32, #tpu.memory_space<hbm>>
        tpu.enqueue_dma source(%arg8 : memref<640xf32, #tpu.memory_space<vmem>>) target(%dma_start3A_153 : memref<640xf32, #tpu.memory_space<hbm>>) target_semaphore(%run_scoped3A : memref<!tpu.dma_semaphore, #tpu.memory_space<semaphore_mem>>)
        %dma_wait3A_154 = tpu.memref_slice %arg3[%add3A_151] : memref<30720xf32, #tpu.memory_space<hbm>> -> memref<640xf32, #tpu.memory_space<hbm>>
        %dma_wait3A_155 = tpu.memref_slice %arg3[%add3A_151] : memref<30720xf32, #tpu.memory_space<hbm>> -> memref<640xf32, #tpu.memory_space<hbm>>
        tpu.wait_dma2 semaphore(%run_scoped3A : memref<!tpu.dma_semaphore, #tpu.memory_space<semaphore_mem>>) src(%arg8 : memref<640xf32, #tpu.memory_space<vmem>>) dst(%dma_wait3A_155 : memref<640xf32, #tpu.memory_space<hbm>>)
        tpu.yield
      }) : () -> ()
    } else {
    }
    return
  }
}

</mosaic_0001>

<sc_bundles>
// kernel: _sc_coeffs.3.cloned.1.call-start
scs
__scs_entry_jumppad:
0x0: {  	(pc) =	sbr.rel $0x88, $3  }
0x1: {  	(tag) =	ssettag $0x0;
	lr =	simm.s32 $0x1  }
0x2: {  	[smem:$0x3FA0] =	sst lr;
	_ =	strace $0xD0000000  }
0x3: {  	_ = 	snop  }
0x4: {  	_ = 	snop  }
0x5: {  	_ = 	snop  }
0x6: {  	_ = 	snop  }
0x7: {  	_ = 	snop  }
__scs_overlays_trampoline_lowered:
0x8: {  	[smem:$0x3FAF] =	sst s0  }
0x9: {  	[smem:$0x3FB0] =	sst s1  }
0xa: {  	[smem:$0x3FB1] =	sst s2  }
0xb: {  	[smem:$0x3FB2] =	sst s3  }
0xc: {  	[smem:$0x3FB3] =	sst s4  }
0xd: {  	[smem:$0x3FB4] =	sst s5  }
0xe: {  	[smem:$0x3FB5] =	sst s6  }
0xf: {  	[smem:$0x3FB6] =	sst s7  }
0x10: {  	[smem:$0x3FB7] =	sst s8  }
0x11: {  	[smem:$0x3FB8] =	sst s9;
	s0 =	simm.s32 @!p0 $0x0  }
0x12: {  	s1 =	sld [smem:$0x3F9E];
	s0 =	simm.s32 @p0 $0x1  }
0x13: {  	[smem:$0x3FB9] =	sst s0;
	s0 =	simm.s32 @!p1 $0x0  }
0x14: {  	s2 =	sld [smem:$0x3F9D];
	s0 =	simm.s32 @p1 $0x1  }
0x15: {  	[smem:$0x3FBA] =	sst s0;
	s0 =	simm.s32 @!p2 $0x0  }
0x16: {  	s3 =	sld [smem:$0x3FDB];
	s0 =	simm.s32 @p2 $0x1  }
0x17: {  	s4 =	simm.s32 $0x1BF5;
	[smem:$0x3FBC] =	sst s0  }
0x18: {  	s0 =	sld [smem:$0x3F9F];
	_ =	swait.ge [sflag:s4], $0x0  }
0x19: {  	s7 =	sld [smem:$0x3FA0]  }
0x1a: {  	s8 =	sadd.s32 $0xFFFFE003, lr  }
0x1b: {  	s9 =	sadd.s32 $0xFFFFFEF7, lr;
	s5 =	simm.s32 $0xFFFFFFFF;
	p2 =	slt.u32 s8, $0xFFFFF086  }
0x1c: {  	p1 =	slt.u32 s9, $0xF7A;
	s5 =	simm.s32 @!p2 $0x0  }
0x1d: {  	s5 =	simm.s32 @p1 $0x1;
	p0 =	seq.s32 s7, s2  }
0x1e: {  	s7 =	smul.u32 @!p0 $0xF7A, s2;
	p2 =	seq.s32 @!p0 s5, $0x0  }
0x1f: {  	s9 =	smul.u32 $0xF7A, s1;
	s8 =	simm.s32 @!p0 $0x1BF5;
	p2 =	por !p2, p0  }
0x20: {  	[sflag:s8] =	ssyncset.s32 @!p0 $0xFFFFF086;
	s6 =	sadd.s32 @!p0 s3, s7;
	s7 =	simm.s32 @!p0 $0x108  }
0x21: {  	s3 =	sadd.s32 s3, s9;
	s6 =	sadd.s32 @!p0 $0x88, s6;
	s7 =	simm.s32 @p2 $0x1082  }
0x22: {  	[simem:s7], [sflag:s8] =	dma.local @!p0 [hbm:s6], $0xF7A  }
0x23: {  	s9 =	sor.u32 $0xD0000000, s2;
	s6 =	simm.s32 $0x108;
	_ =	swait.ge @!p0 [sflag:s8], $0x0  }
0x24: {  	s3 =	sadd.s32 $0x88, s3;
	s6 =	simm.s32 @!p1 $0x1082;
	[sflag:s4] =	ssyncset.s32 $0xFFFFF086  }
0x25: {  	[simem:s6], [sflag:s4] =	dma.local [hbm:s3], $0xF7A  }
0x26: {  	[smem:$0x3FA0] =	sst s1;
	(tag) =	ssettag s2;
	_ =	strace s9  }
0x27: {  	s1 =	sld [smem:$0x3FB0]  }
0x28: {  	s2 =	sld [smem:$0x3FB1]  }
0x29: {  	s4 =	sld [smem:$0x3FB3]  }
0x2a: {  	p0 =	seq.s32 s5, $0x0;
	s5 =	sld [smem:$0x3FB4]  }
0x2b: {  	s6 =	sld [smem:$0x3FB5]  }
0x2c: {  	s7 =	sld [smem:$0x3FB6]  }
0x2d: {  	s3 =	simm.s32 $0x108;
	s8 =	sld [smem:$0x3FB7]  }
0x2e: {  	s3 =	simm.s32 @!p0 $0x1082;
	s9 =	sld [smem:$0x3FB8]  }
0x2f: {  	lr =	sadd.s32 s0, s3;
	s0 =	sld [smem:$0x3FAF]  }
0x30: {  	s3 =	sld [smem:$0x3FB2]  }
0x31: {  	[smem:$0x3FBB] =	sst s10  }
0x32: {  	s10 =	sld [smem:$0x3FB9];
	_ =	sdelay $0x3  }
0x33: {  	p0 =	seq.s32 s10, $0x1;
	s10 =	sld [smem:$0x3FBB];
	_ =	sdelay $0x3  }
0x34: {  	[smem:$0x3FBB] =	sst s10  }
0x35: {  	s10 =	sld [smem:$0x3FBA];
	_ =	sdelay $0x3  }
0x36: {  	p1 =	seq.s32 s10, $0x1;
	s10 =	sld [smem:$0x3FBB];
	_ =	sdelay $0x3  }
0x37: {  	[smem:$0x3FBB] =	sst s10  }
0x38: {  	s10 =	sld [smem:$0x3FBC]  }
0x39: {  	_ = 	snop;
	(pc) =	sbr.ind lr, $3  }
0x3a: {  	_ = 	snop  }
0x3b: {  	_ = 	snop  }
0x3c: {  	p2 =	seq.s32 s10, $0x1;
	s10 =	sld [smem:$0x3FBB]  }
0x3d: {  	_ =	shalt  }
0x3e: {  	_ =	shalt  }
0x3f: {  	_ =	shalt  }
0x40: {  	_ =	shalt  }
0x41: {  	_ =	shalt  }
0x42: {  	_ =	shalt  }
0x43: {  	_ =	shalt  }
0x44: {  	_ =	shalt  }
0x45: {  	_ =	shalt  }
0x46: {  	_ =	shalt  }
0x47: {  	_ =	shalt  }
0x48: {  	_ =	shalt  }
0x49: {  	_ =	shalt  }
0x4a: {  	_ =	shalt  }
0x4b: {  	_ =	shalt  }
0x4c: {  	_ =	shalt  }
0x4d: {  	_ =	shalt  }
0x4e: {  	_ =	shalt  }
0x4f: {  	_ =	shalt  }
0x50: {  	_ =	shalt  }
0x51: {  	_ =	shalt  }
0x52: {  	_ =	shalt  }
0x53: {  	_ =	shalt  }
0x54: {  	_ =	shalt  }
0x55: {  	_ =	shalt  }
0x56: {  	_ =	shalt  }
0x57: {  	_ =	shalt  }
0x58: {  	_ =	shalt  }
0x59: {  	_ =	shalt  }
0x5a: {  	_ =	shalt  }
0x5b: {  	_ =	shalt  }
0x5c: {  	_ =	shalt  }
0x5d: {  	_ =	shalt  }
0x5e: {  	_ =	shalt  }
0x5f: {  	_ =	shalt  }
0x60: {  	_ =	shalt  }
0x61: {  	_ =	shalt  }
0x62: {  	_ =	shalt  }
0x63: {  	_ =	shalt  }
0x64: {  	_ =	shalt  }
0x65: {  	_ =	shalt  }
0x66: {  	_ =	shalt  }
0x67: {  	_ =	shalt  }
0x68: {  	_ =	shalt  }
0x69: {  	_ =	shalt  }
0x6a: {  	_ =	shalt  }
0x6b: {  	_ =	shalt  }
0x6c: {  	_ =	shalt  }
0x6d: {  	_ =	shalt  }
0x6e: {  	_ =	shalt  }
0x6f: {  	_ =	shalt  }
0x70: {  	_ =	shalt  }
0x71: {  	_ =	shalt  }
0x72: {  	_ =	shalt  }
0x73: {  	_ =	shalt  }
0x74: {  	_ =	shalt  }
0x75: {  	_ =	shalt  }
0x76: {  	_ =	shalt  }
0x77: {  	_ =	shalt  }
0x78: {  	_ =	shalt  }
0x79: {  	_ =	shalt  }
0x7a: {  	_ =	shalt  }
0x7b: {  	_ =	shalt  }
0x7c: {  	_ =	shalt  }
0x7d: {  	_ =	shalt  }
0x7e: {  	_ =	shalt  }
0x7f: {  	_ =	shalt  }
0x80: {  	_ =	shalt  }
0x81: {  	_ =	shalt  }
0x82: {  	_ =	shalt  }
0x83: {  	_ =	shalt  }
0x84: {  	_ =	shalt  }
0x85: {  	_ =	shalt  }
0x86: {  	_ =	shalt  }
0x87: {  	_ =	shalt  }
.Lfunc_end0:
.L_simem_size_0:
called_computation_lowered:
.L_overlay_start_0:
0x88: {  	s2 =	sld [smem:$0x3FD9]  }
0x89: {  	s3 =	sld [smem:$0x3FFE];
	_ =	sdelay $0x1  }
0x8a: {  	s1 =	srdreg.scid  }
0x8b: {  	s0 =	sand.u32 $0x1, s1  }
0x8c: {  	s18 =	sshll.u32 s0, $0xA;
	s2 =	sadd.s32 s3, s2  }
0x8d: {  	s2 =	sadd.s32 s2, s18  }
0x8e: {  	[smem:$0x3FC7] =	sst s2  }
0x8f: {  	_ = 	snop  }
0x90: {  	s2 =	sld [smem:$0x3FC9]  }
0x91: {  	s19 =	sld [smem:$0x3FD0];
	(tm) =	ssettm $0x1  }
0x92: {  	s4 =	sld [smem:$0x3FFB];
	_ =	sdelay $0x3  }
0x93: {  	_ =	strace s4  }
0x94: {  	s4 =	sld [smem:$0x3FFC];
	_ =	sdelay $0x3  }
0x95: {  	_ =	strace s4  }
0x96: {  	s4 =	sld [smem:$0x3FFD];
	_ =	sdelay $0x3  }
0x97: {  	_ =	strace s4  }
0x98: {  	_ =	strace $0x8FFFFFFF  }
0x99: {  	s20 =	sld [smem:$0x3FDB];
	_ =	sdelay $0x1  }
0x9a: {  	s5 =	simm.s32 $_scs_section_size  }
0x9b: {  	s6 =	simm.s32 $_size__tile_overlayer_lowered;
	s7 =	simm.s32 $_tile_overlayer_lowered  }
0x9c: {  	s23 =	simm.s32 $0x1BFF;
	s22 =	sshll.u32 s7, $0x1;
	s4 =	sadd.s32 s5, s20  }
0x9d: {  	s8 =	simm.s32 $0x0;
	s21 =	sshll.u32 s6, $0x1;
	s6 =	sadd.s32 s22, s4  }
0x9e: {  	[timem:s8], [sflag:s23] =	dma.local [hbm:s6], s21  }
0x9f: {  	_ =	swait.ge [sflag:s23], s21  }
0xa0: {  	s5 =	ssub.s32 $0x0, s21;
	[sflag:s23] =	ssyncset.done $0x0  }
0xa1: {  	[sflag:s23] =	ssyncadd.s32 s5;
	_ =	sdelay $0x1  }
0xa2: {  	s24 =	simm.s32 $0x1B8B  }
0xa3: {  	_ =	swait.ge [sflag:s24], $0x1  }
0xa4: {  	[sflag:s24] =	ssyncset.done $0x0  }
0xa5: {  	s25 =	simm.s32 $0x1B8E;
	[sflag:s24] =	ssyncadd.s32 $0xFFFFFFFF  }
0xa6: {  	s26 =	simm.s32 $execute0_lowered;
	[smem:$0x3FD2] =	sst s25  }
0xa7: {  	s5 =	sshll.u32 s26, $0x1;
	_ =	strace $0x80000046;
	[dreg:$0x1] =	wrdreg $0xFFFFFFFF  }
0xa8: {  	s28 =	simm.s32 $_size_execute0_lowered;
	s4 =	sadd.s32 s4, s5;
	[dreg:$0x0] =	wrdreg $0x0  }
0xa9: {  	s5 =	sshll.u32 s28, $0x1;
	[dreg:$0x2] =	wrdreg s4  }
0xaa: {  	[dreg:$0x3] =	wrdreg s5  }
0xab: {  	[dreg:$0x4] =	wrdreg $0xC0  }
0xac: {  	_ =	task [dreg:s8], $0x5FFFF  }
0xad: {  	[dreg:$0x1] =	wrdreg $0xFFFFFFFF  }
0xae: {  	[dreg:$0x0] =	wrdreg $0x60  }
0xaf: {  	[dreg:$0x2] =	wrdreg s2  }
0xb0: {  	[dreg:$0x3] =	wrdreg s19  }
0xb1: {  	[dreg:$0x4] =	wrdreg $0x117800  }
0xb2: {  	[dreg:$0x5] =	wrdreg $0x13F800  }
0xb3: {  	[dreg:$0x6] =	wrdreg $0x9  }
0xb4: {  	_ =	task.clear_ibuf [dreg:s8], $0x7FFFF;
	_ =	strace $0x90000046  }
0xb5: {  	s29 =	simm.s32 $0x9;
	_ =	strace $0x80000048  }
0xb6: {  	_ =	swait.ge [sflag:s29], $0x1  }
0xb7: {  	[sflag:s29] =	ssyncadd.s32 $0xFFFFFFFF  }
0xb8: {  	_ =	strace $0x90000048  }
0xb9: {  	_ =	sfence  }
0xba: {  	s30 =	sld [smem:$0x0];
	_ =	sdelay $0x2  }
0xbb: {  	s31 =	sshll.u32 s1, $0xD;
	s1 =	sshrl.u32 s1, $0x2  }
0xbc: {  	s3 =	sand.u32 $0x4000, s31;
	s1 =	sadd.s32 s1, s30  }
0xbd: {  	s0 =	sor.u32 s3, s0;
	s1 =	sshll.u32 s1, $0x11  }
0xbe: {  	s0 =	sor.u32 s1, s0  }
0xbf: {  	s0 =	sadd.s32 $0x8F2B, s0  }
0xc0: {  	[sflag:s0] =	ssyncadd.remote.s32 $0x1  }
0xc1: {  	_ =	sfence.sel $0xFFFF  }
0xc2: {  	[dreg:$0x0] =	wrdreg $0xFFFFFFFF;
	(pc) =	sbr.abs _section_cstart, $3  }
0xc3: {  	[dreg:$0x1] =	wrdreg $0xFFFFFFFF  }
0xc4: {  	_ =	task.clear_ibuf [dreg:s8], $0x2FFFF;
	_ =	strace $0x9FFFFFFF  }
0xc5: {  	(tm) =	ssettm $0x7FFFFFFF  }
tec
execute0_lowered:
.L_overlay_start_1:
0x0: {  	(tag) =	ssettag $0x1  }
0x1: {  	s6 =	rddreg [dreg:$0x0]  }
0x2: {  	s0 =	rddreg [dreg:$0x1]  }
0x3: {  	s7 =	rddreg [dreg:$0x2]  }
0x4: {  	s20 =	rddreg [dreg:$0x3];
	s1 =	srdreg.scid  }
0x5: {  	s19 =	stileid.u32;
	s3 =	simm.s32 $0x0;
	s29 =	simm.s32 $0x1  }
0x6: {  	s30 =	simm.s32 $0x9D00;
	s31 =	simm.s32 $0x2;
	s4 =	smul.u32 $0x4E20, s19  }
0x7: {  	s1 =	sand.u32 $0x1, s1;
	[smem:$0x7FF] =	sst s3;
	s8 =	smul.u32 $0x9C40, s19  }
0x8: {  	s11 =	sshrl.u32 s19, $0x3;
	s17 =	smul.u32 $0x5000, s19;
	s12 =	sshll.u32 s19, $0x7  }
0x9: {  	s2 =	ssub.s32 $0x2, s1;
	s16 =	smul.u32 $0x50000, s11;
	s18 =	sand.u32 $0x380, s12  }
0xa: {  	p0 =	seq.s32 s1, $0x0;
	s5 =	sshrl.u32 s2, $0x1;
	s9 =	sshrl.u32 s4, $0x2  }
0xb: {  	s4 =	sand.u32 $0x60, s4;
	s8 =	sand.u32 $0xFFF00, s8;
	s21 =	sshrl.u32 s17, $0x2  }
0xc: {  	s2 =	ssub.s32 s2, s5;
	s5 =	smul.u32 $0x280, s19;
	s9 =	sand.u32 $0x1FFE0, s9  }
0xd: {  	s8 =	sshrl.u32 s8, $0x3;
	s13 =	sadd.s32 $0x26C0, s4;
	s10 =	sadd.s32 $0x26D0, s4  }
0xe: {  	s28 =	sadd.s32 $0x4DF0, s4;
	s9 =	sadd.s32 s6, s9;
	s6 =	sadd.s32 s6, s8  }
0xf: {  	s14 =	sand.u32 $0x60, s13;
	s15 =	sshll.u32 s10, $0x1;
	s17 =	sshll.u32 s28, $0x1  }
0x10: {  	[dreg:$0x6] =	wrdreg s9;
	s9 =	sshll.u32 s13, $0x1;
	s13 =	smul.u32 $0x2710, s1  }
0x11: {  	s10 =	sand.u32 $0x70, s10;
	s17 =	sand.u32 $0x9F00, s17;
	s9 =	sand.u32 $0x4F00, s9  }
0x12: {  	s8 =	sor.u32 s14, s9;
	s9 =	sshrl.u32 s16, $0x2;
	s11 =	sadd.s32 s13, s4  }
0x13: {  	s14 =	sadd.s32 $0x26A0, s4;
	s16 =	sadd.s32 $0x26B0, s4;
	[dreg:$0x7] =	wrdreg s8  }
0x14: {  	s8 =	sand.u32 $0x4F00, s15;
	s9 =	sadd.s32 s9, s7;
	s22 =	sadd.s32 $0x10, s11  }
0x15: {  	s23 =	sand.u32 $0x70, s11;
	s13 =	sshll.u32 s11, $0x1;
	s25 =	sshll.u32 s14, $0x1  }
0x16: {  	s14 =	sand.u32 $0x60, s14;
	s26 =	sshll.u32 s16, $0x1;
	s16 =	sand.u32 $0x70, s16  }
0x17: {  	s8 =	sor.u32 s10, s8;
	s24 =	sshll.u32 s22, $0x1;
	s15 =	sand.u32 $0xFF00, s13  }
0x18: {  	s13 =	sadd.s32 $0x4E00, s13;
	[dreg:$0x8] =	wrdreg s8;
	s8 =	sadd.s32 s18, s9  }
0x19: {  	s9 =	sadd.s32 s21, s7;
	s7 =	sand.u32 $0x70, s22;
	s10 =	sand.u32 $0x1FF00, s24  }
0x1a: {  	s18 =	sadd.s32 $0x26E0, s11;
	s13 =	sand.u32 $0x1FF00, s13;
	s24 =	smul.u32 $0x4E20, s1  }
0x1b: {  	s10 =	sor.u32 s7, s10;
	s7 =	sand.u32 $0x4F00, s25;
	s25 =	sshrl.u32 s5, $0x3  }
0x1c: {  	s7 =	sor.u32 s14, s7;
	s14 =	sand.u32 $0x70, s28;
	s28 =	sadd.s32 s5, s20  }
0x1d: {  	[dreg:$0x9] =	wrdreg s7;
	s7 =	sand.u32 $0x4F00, s26;
	s14 =	sor.u32 s14, s17  }
0x1e: {  	s17 =	sand.u32 $0x70, s18;
	s26 =	sadd.s32 $0x9E0, s6;
	s7 =	sor.u32 s16, s7  }
0x1f: {  	[dreg:$0xb] =	wrdreg s14;
	s16 =	sshll.u32 s18, $0x1;
	s18 =	sadd.s32 $0x26F0, s11  }
0x20: {  	s14 =	sor.u32 s23, s15;
	[dreg:$0xa] =	wrdreg s7;
	s7 =	sand.u32 $0x1FF00, s16  }
0x21: {  	s21 =	sshll.u32 s18, $0x1;
	s22 =	sand.u32 $0x70, s18;
	s15 =	sor.u32 s17, s7  }
0x22: {  	s7 =	sand.u32 $0x1FF00, s21;
	s17 =	sor.u32 s23, s13;
	s23 =	sand.u32 $0x3, s19  }
0x23: {  	_ =	strace $0x80000047;
	s13 =	sadd.s32 s0, s25;
	[dreg:$0xd] =	wrdreg s26  }
0x24: {  	s21 =	sadd.s32 $0x60, s4;
	[dreg:$0xe] =	wrdreg s28;
	s25 =	smax.u32 s2, $0x1  }
0x25: {  	s26 =	sadd.s32 $0x2720, s4;
	s2 =	simm.s32 $0x3;
	s16 =	sor.u32 s22, s7  }
0x26: {  	s7 =	sadd.s32 $0x2800, s5;
	s18 =	sshll.u32 s23, $0x6;
	s23 =	sadd.s32 $0xA00, s13  }
0x27: {  	s22 =	simm.s32 $0x80;
	s7 =	smov.u32 @p0 s5;
	s12 =	sadd.s32 s18, s24  }
0x28: {  	p0 =	sne.s32 s1, $0x0;
	s24 =	sadd.s32 $0x30, s11;
	s7 =	sshrl.u32 s7, $0x3  }
0x29: {  	s11 =	simm.s32 $0xC500;
	[dreg:$0x5] =	wrdreg s12;
	s0 =	sadd.s32 s0, s7  }
0x2a: {  	v0 =	vimm.f32 $0.0e+00;
	v1 =	vimm.f32 $1.000000000e+00;
	s12 =	simm.s32 $0x0;
	s7 =	simm.s32 $0x11500;
	[dreg:$0xc] =	wrdreg s0  }
.LBB2_1:
0x2b: {  	s0 =	rddreg [dreg:$0x6]  }
0x2c: {  	[tilespmem:s3], [sflag:$0x1] =	stream.linear.gather [hbm4b:s0+s3], $0x4F00, $0x38;
	[tilespmem:$0x14200] =	vst v63  }
0x2d: {  	s28 =	rddreg [dreg:$0xd];
	s1 =	simm.s32 $0x4F00  }
0x2e: {  	[tilespmem:s1], [sflag:$0x2] =	stream.linear.gather [hbm4b:s28+s3], $0x4E00, $0x38;
	[tilespmem:$0x14200] =	vst v63  }
0x2f: {  	s0 =	simm.s32 $0x0;
	s1 =	simm.s32 $0x200  }
.LBB2_2:
0x30: {  	p1 =	sne.s32 s1, $0x9E00;
	[tilespmem:s0+$0x9D70] =	vst v0  }
0x31: {  	[tilespmem:s0+$0x9D00] =	vst v0  }
0x32: {  	[tilespmem:s0+$0x9D10] =	vst v0  }
.Ltmp0:
0x33: {  	[tilespmem:s0+$0x9D20] =	vst v0;
	(pc) =	sbr.rel @p1 .LBB2_2-.Ltmp0, $4  }
0x34: {  	[tilespmem:s0+$0x9D30] =	vst v0  }
0x35: {  	[tilespmem:s0+$0x9D40] =	vst v0  }
0x36: {  	[tilespmem:s0+$0x9D50] =	vst v0  }
0x37: {  	[tilespmem:s0+$0x9D60] =	vst v0;
	s0 =	sshra.s32 s1, $0x2;
	s1 =	sadd.s32 $0x200, s1  }
0x38: {  	[tilespmem:s0+$0x9D70] =	vst v0  }
0x39: {  	[tilespmem:s0+$0x9D00] =	vst v0  }
0x3a: {  	[tilespmem:s0+$0x9D10] =	vst v0  }
0x3b: {  	[tilespmem:s0+$0x9D20] =	vst v0  }
0x3c: {  	[tilespmem:s0+$0x9D30] =	vst v0  }
0x3d: {  	[tilespmem:s0+$0x9D40] =	vst v0  }
0x3e: {  	[tilespmem:s0+$0x9D50] =	vst v0  }
0x3f: {  	[tilespmem:s0+$0x9D60] =	vst v0  }
0x40: {  	_ =	swait.ge [sflag:s29], $0x4F00  }
0x41: {  	[sflag:s29] =	ssyncset.done $0x0  }
0x42: {  	[sflag:s29] =	ssyncadd.s32 $0xFFFFB100  }
0x43: {  	v2 =	vld [tilespmem:s4+$0x80];
	_ =	sdelay $0x1  }
0x44: {  	s0 =	sadd.s32 $0x0, s18  }
0x45: {  	s1 =	sadd.s32 $0xFFFFFFC0, s21;
	s5 =	sadd.s32 $0x40, s0;
	v3 =	vld [tilespmem:s4+$0x90]  }
0x46: {  	s1 =	sand.u32 $0x70, s1;
	s5 =	sand.u32 $0x1FF00, s5  }
0x47: {  	s1 =	sor.u32 s1, s5  }
0x48: {  	s28 =	sadd.s32 $0xFFFFFFD0, s21;
	s6 =	sadd.s32 $0x60, s0;
	v4 =	vld [tilespmem:s1+$0x80]  }
0x49: {  	s13 =	sand.u32 $0x70, s28;
	s6 =	sand.u32 $0x1FF00, s6  }
0x4a: {  	s1 =	sor.u32 s13, s6;
	[tilespmem:v2+s30+$0x0] =	vst.idx.add.f32.msk $0xffff, v1  }
0x4b: {  	s20 =	sadd.s32 $0xFFFFFFE0, s21;
	s28 =	sadd.s32 $0x80, s0;
	v5 =	vld [tilespmem:s1+$0x80]  }
0x4c: {  	s5 =	sand.u32 $0x70, s20;
	s6 =	sand.u32 $0x1FF00, s28  }
0x4d: {  	s5 =	sor.u32 s5, s6;
	[tilespmem:v3+s30+$0x0] =	vst.idx.add.f32.msk $0xffff, v1  }
0x4e: {  	s19 =	sadd.s32 $0xA0, s0;
	s13 =	sadd.s32 $0xFFFFFFF0, s21;
	v2 =	vld [tilespmem:s5+$0x80]  }
0x4f: {  	s13 =	sand.u32 $0x70, s13;
	s1 =	sand.u32 $0xFF00, s19  }
0x50: {  	s0 =	sadd.s32 $0xC0, s0;
	s20 =	sand.u32 $0x70, s21;
	s1 =	sor.u32 s13, s1;
	[tilespmem:v4+s30+$0x0] =	vst.idx.add.f32.msk $0xffff, v1  }
0x51: {  	s28 =	sand.u32 $0xFF00, s0;
	s0 =	sadd.s32 $0x50, s21;
	s19 =	simm.s32 $0x140;
	v3 =	vld [tilespmem:s1+$0x80]  }
0x52: {  	s13 =	sadd.s32 $0xFFFFFFC0, s0;
	s5 =	sor.u32 s20, s28;
	s1 =	sadd.s32 $0xA0, s18  }
0x53: {  	s6 =	sadd.s32 $0x40, s1;
	s20 =	sadd.s32 $0x60, s1;
	s28 =	sadd.s32 $0xA0, s1;
	[tilespmem:v5+s30+$0x0] =	vst.idx.add.f32.msk $0xffff, v1  }
0x54: {  	s6 =	sand.u32 $0x1FF00, s6;
	v4 =	vld [tilespmem:s5+$0x80];
	s5 =	sand.u32 $0x70, s13;
	s13 =	sand.u32 $0xFF00, s28  }
.LBB2_4:
0x55: {  	s5 =	sor.u32 s5, s6  }
0x56: {  	s6 =	sand.u32 $0x1FF00, s20;
	[tilespmem:v2+s30+$0x0] =	vst.idx.add.f32.msk $0xffff, v1;
	s20 =	smov.u32 s19;
	s28 =	sadd.s32 $0xA0, s19  }
0x57: {  	p1 =	sne.s32 s19, $0x4C40;
	v5 =	vld [tilespmem:s5+$0x80];
	s5 =	sadd.s32 $0xFFFFFFD0, s0  }
0x58: {  	s5 =	sand.u32 $0x70, s5  }
0x59: {  	[tilespmem:v3+s30+$0x0] =	vst.idx.add.f32.msk $0xffff, v1;
	s5 =	sor.u32 s5, s6  }
0x5a: {  	s6 =	sadd.s32 $0x80, s1;
	v6 =	vld [tilespmem:s5+$0x80];
	s5 =	sadd.s32 $0xFFFFFFE0, s0  }
0x5b: {  	s6 =	sand.u32 $0x1FF00, s6;
	s5 =	sand.u32 $0x70, s5  }
0x5c: {  	[tilespmem:v4+s30+$0x0] =	vst.idx.add.f32.msk $0xffff, v1;
	s5 =	sor.u32 s5, s6  }
0x5d: {  	v2 =	vld [tilespmem:s5+$0x80];
	s5 =	sadd.s32 $0xFFFFFFF0, s0  }
0x5e: {  	s5 =	sand.u32 $0x70, s5  }
0x5f: {  	s1 =	sadd.s32 $0xC0, s1;
	[tilespmem:v5+s30+$0x0] =	vst.idx.add.f32.msk $0xffff, v1;
	s5 =	sor.u32 s5, s13  }
.Ltmp1:
0x60: {  	s6 =	sand.u32 $0xFF00, s1;
	v3 =	vld [tilespmem:s5+$0x80];
	(pc) =	sbr.rel @p1 .LBB2_4-.Ltmp1, $4  }
0x61: {  	s1 =	sadd.s32 s20, s18;
	s5 =	sand.u32 $0x70, s0;
	s0 =	sadd.s32 $0x50, s0  }
0x62: {  	s13 =	sadd.s32 $0xFFFFFFC0, s0;
	s5 =	sor.u32 s5, s6;
	s6 =	sadd.s32 $0x40, s1;
	[tilespmem:v6+s30+$0x0] =	vst.idx.add.f32.msk $0xffff, v1  }
0x63: {  	s20 =	sadd.s32 $0x60, s1;
	s19 =	sadd.s32 $0xA0, s1;
	s6 =	sand.u32 $0x1FF00, s6;
	v4 =	vld [tilespmem:s5+$0x80]  }
0x64: {  	s5 =	sand.u32 $0x70, s13;
	s13 =	sand.u32 $0xFF00, s19;
	s19 =	smov.u32 s28  }
0x65: {  	_ =	sdelay $0x3  }
0x66: {  	s5 =	sor.u32 s5, s6;
	[tilespmem:v2+s30+$0x0] =	vst.idx.add.f32.msk $0xffff, v1;
	s28 =	sadd.s32 $0xFFFFFFD0, s0  }
0x67: {  	s19 =	sand.u32 $0x1FF00, s20;
	v2 =	vld [tilespmem:s5+$0x80];
	s6 =	sand.u32 $0x70, s28  }
0x68: {  	[tilespmem:v3+s30+$0x0] =	vst.idx.add.f32.msk $0xffff, v1;
	s5 =	sor.u32 s6, s19  }
0x69: {  	v3 =	vld [tilespmem:s5+$0x80];
	_ =	sdelay $0x1  }
0x6a: {  	s20 =	sadd.s32 $0x80, s1;
	s19 =	sadd.s32 $0xFFFFFFE0, s0  }
0x6b: {  	s6 =	sand.u32 $0x1FF00, s20;
	s5 =	sand.u32 $0x70, s19  }
0x6c: {  	s28 =	sadd.s32 $0xFFFFFFF0, s0;
	[tilespmem:v4+s30+$0x0] =	vst.idx.add.f32.msk $0xffff, v1;
	s5 =	sor.u32 s5, s6  }
0x6d: {  	s6 =	sand.u32 $0x70, s28;
	v4 =	vld [tilespmem:s5+$0x80]  }
0x6e: {  	s5 =	sor.u32 s6, s13;
	s13 =	sadd.s32 $0xC0, s1;
	[tilespmem:v2+s30+$0x0] =	vst.idx.add.f32.msk $0xffff, v1  }
0x6f: {  	s19 =	sand.u32 $0x70, s0;
	s1 =	sand.u32 $0xFF00, s13;
	v2 =	vld [tilespmem:s5+$0x80]  }
0x70: {  	s0 =	sor.u32 s19, s1;
	[tilespmem:v3+s30+$0x0] =	vst.idx.add.f32.msk $0xffff, v1  }
0x71: {  	v3 =	vld [tilespmem:s0+$0x80];
	_ =	sdelay $0x3  }
0x72: {  	[tilespmem:v4+s30+$0x0] =	vst.idx.add.f32.msk $0xffff, v1  }
0x73: {  	v4 =	vld [tilespmem:s4+$0x4D90]  }
0x74: {  	s20 =	rddreg [dreg:$0x9];
	[tilespmem:v2+s30+$0x0] =	vst.idx.add.f32.msk $0xffff, v1  }
0x75: {  	v2 =	vld [tilespmem:s20+$0x80]  }
0x76: {  	s28 =	rddreg [dreg:$0xa];
	[tilespmem:v3+s30+$0x0] =	vst.idx.add.f32.msk $0xffff, v1  }
0x77: {  	v3 =	vld [tilespmem:s28+$0x80];
	_ =	sdelay $0x5  }
0x78: {  	[tilespmem:v4+s30+$0x0] =	vst.idx.add.f32.msk $0xffff, v1  }
0x79: {  	[tilespmem:v2+s30+$0x0] =	vst.idx.add.f32.msk $0xffff, v1  }
0x7a: {  	[tilespmem:v3+s30+$0x0] =	vst.idx.add.f32.msk $0xffff, v1  }
0x7b: {  	_ =	swait.ge [sflag:s31], $0x4E00  }
0x7c: {  	[sflag:s31] =	ssyncset.done $0x0  }
0x7d: {  	s1 =	rddreg [dreg:$0x7];
	[sflag:s31] =	ssyncadd.s32 $0xFFFFB200  }
0x7e: {  	v2 =	vld [tilespmem:s1+$0x80];
	_ =	sdelay $0x1  }
0x7f: {  	s0 =	sadd.s32 $0x0, s18;
	s19 =	rddreg [dreg:$0x8]  }
0x80: {  	s5 =	sadd.s32 $0xFFFFFFC0, s26;
	s13 =	sadd.s32 $0x4DC0, s0;
	v3 =	vld [tilespmem:s19+$0x80]  }
0x81: {  	s1 =	sand.u32 $0x70, s5;
	s5 =	sand.u32 $0x1FF00, s13  }
0x82: {  	s1 =	sor.u32 s1, s5  }
0x83: {  	s20 =	sadd.s32 $0x4DE0, s0;
	s28 =	sadd.s32 $0xFFFFFFD0, s26;
	v4 =	vld [tilespmem:s1+$0x80]  }
0x84: {  	s6 =	sand.u32 $0x1FF00, s20;
	s5 =	sand.u32 $0x70, s28  }
0x85: {  	s1 =	sor.u32 s5, s6;
	[tilespmem:v2+s30+$0x0] =	vst.idx.add.f32.msk $0xffff, v1  }
0x86: {  	s20 =	sadd.s32 $0x4E00, s0;
	s19 =	sadd.s32 $0xFFFFFFE0, s26;
	v5 =	vld [tilespmem:s1+$0x80]  }
0x87: {  	s5 =	sand.u32 $0x70, s19;
	s6 =	sand.u32 $0x1FF00, s20  }
0x88: {  	s5 =	sor.u32 s5, s6;
	[tilespmem:v3+s30+$0x0] =	vst.idx.add.f32.msk $0xffff, v1  }
0x89: {  	s13 =	sadd.s32 $0x4E20, s0;
	s28 =	sadd.s32 $0xFFFFFFF0, s26;
	v2 =	vld [tilespmem:s5+$0x80]  }
0x8a: {  	s1 =	sand.u32 $0xFF00, s13;
	s13 =	sand.u32 $0x70, s28  }
0x8b: {  	s0 =	sadd.s32 $0x4E40, s0;
	s19 =	simm.s32 $0x140;
	s1 =	sor.u32 s13, s1;
	[tilespmem:v4+s30+$0x0] =	vst.idx.add.f32.msk $0xffff, v1  }
0x8c: {  	s20 =	sand.u32 $0x70, s26;
	s28 =	sand.u32 $0xFF00, s0;
	s0 =	sadd.s32 $0x50, s26;
	v3 =	vld [tilespmem:s1+$0x80]  }
0x8d: {  	s13 =	sadd.s32 $0xFFFFFFC0, s0;
	s5 =	sor.u32 s20, s28;
	s1 =	sadd.s32 $0xA0, s18  }
0x8e: {  	s6 =	sadd.s32 $0x4DC0, s1;
	s20 =	sadd.s32 $0x4DE0, s1;
	s28 =	sadd.s32 $0x4E20, s1;
	[tilespmem:v5+s30+$0x0] =	vst.idx.add.f32.msk $0xffff, v1  }
0x8f: {  	s6 =	sand.u32 $0x1FF00, s6;
	v4 =	vld [tilespmem:s5+$0x80];
	s5 =	sand.u32 $0x70, s13;
	s13 =	sand.u32 $0xFF00, s28  }
.LBB2_6:
0x90: {  	s5 =	sor.u32 s5, s6  }
0x91: {  	s6 =	sand.u32 $0x1FF00, s20;
	[tilespmem:v2+s30+$0x0] =	vst.idx.add.f32.msk $0xffff, v1;
	s20 =	smov.u32 s19;
	s28 =	sadd.s32 $0xA0, s19  }
0x92: {  	p1 =	sne.s32 s19, $0x4D80;
	v5 =	vld [tilespmem:s5+$0x80];
	s5 =	sadd.s32 $0xFFFFFFD0, s0  }
0x93: {  	s5 =	sand.u32 $0x70, s5  }
0x94: {  	[tilespmem:v3+s30+$0x0] =	vst.idx.add.f32.msk $0xffff, v1;
	s5 =	sor.u32 s5, s6  }
0x95: {  	s6 =	sadd.s32 $0x4E00, s1;
	v6 =	vld [tilespmem:s5+$0x80];
	s5 =	sadd.s32 $0xFFFFFFE0, s0  }
0x96: {  	s6 =	sand.u32 $0x1FF00, s6;
	s5 =	sand.u32 $0x70, s5  }
0x97: {  	[tilespmem:v4+s30+$0x0] =	vst.idx.add.f32.msk $0xffff, v1;
	s5 =	sor.u32 s5, s6  }
0x98: {  	v2 =	vld [tilespmem:s5+$0x80];
	s5 =	sadd.s32 $0xFFFFFFF0, s0  }
0x99: {  	s5 =	sand.u32 $0x70, s5  }
0x9a: {  	s1 =	sadd.s32 $0x4E40, s1;
	[tilespmem:v5+s30+$0x0] =	vst.idx.add.f32.msk $0xffff, v1;
	s5 =	sor.u32 s5, s13  }
.Ltmp2:
0x9b: {  	s6 =	sand.u32 $0xFF00, s1;
	v3 =	vld [tilespmem:s5+$0x80];
	(pc) =	sbr.rel @p1 .LBB2_6-.Ltmp2, $4  }
0x9c: {  	s1 =	sadd.s32 s20, s18;
	s5 =	sand.u32 $0x70, s0;
	s0 =	sadd.s32 $0x50, s0  }
0x9d: {  	s13 =	sadd.s32 $0xFFFFFFC0, s0;
	s5 =	sor.u32 s5, s6;
	s6 =	sadd.s32 $0x4DC0, s1;
	[tilespmem:v6+s30+$0x0] =	vst.idx.add.f32.msk $0xffff, v1  }
0x9e: {  	s20 =	sadd.s32 $0x4DE0, s1;
	s19 =	sadd.s32 $0x4E20, s1;
	s6 =	sand.u32 $0x1FF00, s6;
	v4 =	vld [tilespmem:s5+$0x80]  }
0x9f: {  	s5 =	sand.u32 $0x70, s13;
	s13 =	sand.u32 $0xFF00, s19;
	s19 =	smov.u32 s28  }
0xa0: {  	_ =	sdelay $0x3  }
0xa1: {  	s5 =	sor.u32 s5, s6;
	[tilespmem:v2+s30+$0x0] =	vst.idx.add.f32.msk $0xffff, v1;
	s28 =	sadd.s32 $0xFFFFFFD0, s0  }
0xa2: {  	s19 =	sand.u32 $0x1FF00, s20;
	v2 =	vld [tilespmem:s5+$0x80];
	s6 =	sand.u32 $0x70, s28  }
0xa3: {  	[tilespmem:v3+s30+$0x0] =	vst.idx.add.f32.msk $0xffff, v1;
	s5 =	sor.u32 s6, s19  }
0xa4: {  	v3 =	vld [tilespmem:s5+$0x80];
	_ =	sdelay $0x1  }
0xa5: {  	s20 =	sadd.s32 $0x4E00, s1;
	s19 =	sadd.s32 $0xFFFFFFE0, s0  }
0xa6: {  	s6 =	sand.u32 $0x1FF00, s20;
	s5 =	sand.u32 $0x70, s19  }
0xa7: {  	s28 =	sadd.s32 $0xFFFFFFF0, s0;
	[tilespmem:v4+s30+$0x0] =	vst.idx.add.f32.msk $0xffff, v1;
	s5 =	sor.u32 s5, s6  }
0xa8: {  	s6 =	sand.u32 $0x70, s28;
	v4 =	vld [tilespmem:s5+$0x80]  }
0xa9: {  	s19 =	sadd.s32 $0x4E40, s1;
	s5 =	sor.u32 s6, s13;
	[tilespmem:v2+s30+$0x0] =	vst.idx.add.f32.msk $0xffff, v1  }
0xaa: {  	s20 =	sand.u32 $0x70, s0;
	s1 =	sand.u32 $0xFF00, s19;
	v2 =	vld [tilespmem:s5+$0x80]  }
0xab: {  	s0 =	sor.u32 s20, s1;
	[tilespmem:v3+s30+$0x0] =	vst.idx.add.f32.msk $0xffff, v1  }
0xac: {  	v3 =	vld [tilespmem:s0+$0x80];
	_ =	sdelay $0x3  }
0xad: {  	s28 =	rddreg [dreg:$0xb];
	[tilespmem:v4+s30+$0x0] =	vst.idx.add.f32.msk $0xffff, v1  }
0xae: {  	v4 =	vld [tilespmem:s28+$0x80]  }
0xaf: {  	[tilespmem:v2+s30+$0x0] =	vst.idx.add.f32.msk $0xffff, v1  }
0xb0: {  	v2 =	vld [tilespmem:s4+$0x9C80]  }
0xb1: {  	[tilespmem:v3+s30+$0x0] =	vst.idx.add.f32.msk $0xffff, v1  }
0xb2: {  	v3 =	vld [tilespmem:s4+$0x9C90];
	_ =	sdelay $0x5  }
0xb3: {  	[tilespmem:v4+s30+$0x0] =	vst.idx.add.f32.msk $0xffff, v1  }
0xb4: {  	[tilespmem:v2+s30+$0x0] =	vst.idx.add.f32.msk $0xffff, v1  }
0xb5: {  	s1 =	simm.s32 $0x400;
	[tilespmem:v3+s30+$0x0] =	vst.idx.add.f32.msk $0xffff, v1  }
0xb6: {  	[spmem:s8] =	stream.strided.scatter [tilespmem:s30], [sflag:$0x3], $0x2800, s1, s22, $0x38;
	[tilespmem:$0x14200] =	vst v63  }
0xb7: {  	_ =	swait.ge [sflag:s2], $0x2800  }
0xb8: {  	[sflag:s2] =	ssyncset.done $0x0  }
0xb9: {  	s6 =	simm.s32 $0x14000;
	[sflag:s2] =	ssyncadd.s32 $0xFFFFD800  }
0xba: {  	s13 =	simm.s32 $0xED00;
	s5 =	simm.s32 $0x1400;
	[bflag:$0x0] =	sbarrier.arrive $0xFFFF  }
0xbb: {  	[tilespmem:s13], [sflag:$0x3] =	stream.strided.gather [spmem:s9], $0x2800, s6, s5, $0x38;
	[tilespmem:$0x14200] =	vst v63  }
0xbc: {  	s19 =	simm.s32 $0x0;
	_ =	swait.ge [sflag:s2], $0x2800  }
0xbd: {  	s20 =	sand.u32 $0x70, s19;
	s0 =	sand.u32 $0x1C00, s19;
	[sflag:s2] =	ssyncset.done $0x0  }
0xbe: {  	s0 =	sor.u32 s20, s0;
	[sflag:s2] =	ssyncadd.s32 $0xFFFFD800  }
0xbf: {  	v2 =	vld [tilespmem:s0+$0x10480]  }
0xc0: {  	v3 =	vld [tilespmem:s0+$0x10400]  }
0xc1: {  	v4 =	vld [tilespmem:s0+$0x10380]  }
0xc2: {  	v5 =	vld [tilespmem:s0+$0x10300]  }
0xc3: {  	v6 =	vld [tilespmem:s0+$0x10280]  }
0xc4: {  	v7 =	vld [tilespmem:s0+$0x10200]  }
0xc5: {  	v8 =	vld [tilespmem:s0+$0x10180]  }
0xc6: {  	v9 =	vld [tilespmem:s0+$0x10100]  }
0xc7: {  	v10 =	vld [tilespmem:s0+$0xF080]  }
0xc8: {  	v11 =	vld [tilespmem:s0+$0xF000]  }
0xc9: {  	v12 =	vld [tilespmem:s0+$0xEF80]  }
0xca: {  	v13 =	vld [tilespmem:s0+$0xEF00]  }
0xcb: {  	v14 =	vld [tilespmem:s0+$0xEE80]  }
0xcc: {  	v15 =	vld [tilespmem:s0+$0xEE00]  }
0xcd: {  	v16 =	vld [tilespmem:s0+$0xED80]  }
0xce: {  	v17 =	vld [tilespmem:s0+$0xED00];
	_ =	sdelay $0x1  }
0xcf: {  	v4 =	vadd.f32 v4, v5;
	v2 =	vadd.f32 v2, v3  }
0xd0: {  	v3 =	vadd.f32 v8, v9;
	v5 =	vadd.f32 v6, v7  }
0xd1: {  	v6 =	vadd.f32 v12, v13;
	v7 =	vadd.f32 v10, v11  }
0xd2: {  	v8 =	vadd.f32 v16, v17;
	v9 =	vadd.f32 v14, v15  }
0xd3: {  	v3 =	vadd.f32 v5, v3;
	v2 =	vadd.f32 v2, v4  }
0xd4: {  	v4 =	vadd.f32 v9, v8;
	v5 =	vadd.f32 v7, v6;
	_ =	sdelay $0x1  }
0xd5: {  	v4 =	vadd.f32 v5, v4;
	v2 =	vadd.f32 v2, v3;
	_ =	sdelay $0x1  }
0xd6: {  	v2 =	vadd.f32 v2, v4;
	_ =	sdelay $0x1  }
0xd7: {  	v2 =	vadd.f32 $1.000000000e+00, v2;
	_ =	sdelay $0x1  }
0xd8: {  	v3 =	vshrl.u32 v2, $0x1;
	v2 =	vmul.f32 $5.000000000e-01, v2  }
0xd9: {  	v3 =	vsub.s32 $0x5F3759DF, v3  }
0xda: {  	v4 =	vmul.f32 v3, v2;
	_ =	sdelay $0x1  }
0xdb: {  	v4 =	vmul.f32 v3, v4;
	_ =	sdelay $0x1  }
0xdc: {  	v4 =	vsub.f32 $1.500000000e+00, v4;
	_ =	sdelay $0x1  }
0xdd: {  	v3 =	vmul.f32 v3, v4;
	_ =	sdelay $0x1  }
0xde: {  	v4 =	vmul.f32 v3, v2;
	_ =	sdelay $0x1  }
0xdf: {  	v4 =	vmul.f32 v4, v3;
	_ =	sdelay $0x1  }
0xe0: {  	v4 =	vsub.f32 $1.500000000e+00, v4;
	_ =	sdelay $0x1  }
0xe1: {  	v3 =	vmul.f32 v4, v3;
	_ =	sdelay $0x1  }
0xe2: {  	v2 =	vmul.f32 v3, v2;
	_ =	sdelay $0x1  }
0xe3: {  	v2 =	vmul.f32 v2, v3;
	_ =	sdelay $0x1  }
0xe4: {  	v2 =	vsub.f32 $1.500000000e+00, v2;
	_ =	sdelay $0x1  }
0xe5: {  	s22 =	simm.s32 $0x10;
	s0 =	simm.s32 $0x80;
	v2 =	vmul.f32 v2, v3  }
0xe6: {  	s1 =	sand.u32 $0x70, s22;
	s13 =	simm.s32 $0x11500;
	s28 =	sand.u32 $0x1C00, s0  }
0xe7: {  	s19 =	sor.u32 s1, s28;
	[tilespmem:s13+$0x0] =	vst v2  }
0xe8: {  	v2 =	vld [tilespmem:s19+$0x10480]  }
0xe9: {  	v3 =	vld [tilespmem:s19+$0x10400]  }
0xea: {  	v5 =	vld [tilespmem:s19+$0x10380]  }
0xeb: {  	v7 =	vld [tilespmem:s19+$0x10300]  }
0xec: {  	v4 =	vld [tilespmem:s19+$0x10280]  }
0xed: {  	v6 =	vld [tilespmem:s19+$0x10200]  }
0xee: {  	v9 =	vld [tilespmem:s19+$0x10180]  }
0xef: {  	v11 =	vld [tilespmem:s19+$0x10100]  }
0xf0: {  	v8 =	vld [tilespmem:s19+$0xF080]  }
0xf1: {  	v10 =	vld [tilespmem:s19+$0xF000]  }
0xf2: {  	v13 =	vld [tilespmem:s19+$0xEF80]  }
0xf3: {  	v15 =	vld [tilespmem:s19+$0xEF00]  }
0xf4: {  	v12 =	vld [tilespmem:s19+$0xEE80]  }
0xf5: {  	s1 =	simm.s32 $0x20;
	v14 =	vld [tilespmem:s19+$0xEE00]  }
.LBB2_8:
0xf6: {  	p1 =	sne.s32 s1, $0x270;
	v16 =	vld [tilespmem:s19+$0xED80]  }
0xf7: {  	v17 =	vld [tilespmem:s19+$0xED00];
	_ =	sdelay $0x1  }
0xf8: {  	v5 =	vadd.f32 v5, v7;
	v2 =	vadd.f32 v2, v3  }
0xf9: {  	v3 =	vadd.f32 v9, v11;
	v4 =	vadd.f32 v4, v6  }
0xfa: {  	v7 =	vadd.f32 v8, v10;
	v6 =	vadd.f32 v13, v15  }
0xfb: {  	v9 =	vadd.f32 v12, v14;
	v8 =	vadd.f32 v16, v17  }
0xfc: {  	v3 =	vadd.f32 v4, v3;
	v2 =	vadd.f32 v2, v5  }
0xfd: {  	v5 =	vadd.f32 v7, v6;
	v4 =	vadd.f32 v9, v8;
	_ =	sdelay $0x1  }
0xfe: {  	v2 =	vadd.f32 v2, v3;
	v4 =	vadd.f32 v5, v4;
	_ =	sdelay $0x1  }
0xff: {  	v2 =	vadd.f32 v2, v4;
	_ =	sdelay $0x1  }
0x100: {  	v2 =	vadd.f32 $1.000000000e+00, v2;
	_ =	sdelay $0x1  }
0x101: {  	v3 =	vshrl.u32 v2, $0x1;
	v2 =	vmul.f32 $5.000000000e-01, v2  }
0x102: {  	v3 =	vsub.s32 $0x5F3759DF, v3  }
0x103: {  	v4 =	vmul.f32 v3, v2;
	_ =	sdelay $0x1  }
0x104: {  	v4 =	vmul.f32 v3, v4;
	_ =	sdelay $0x1  }
0x105: {  	v4 =	vsub.f32 $1.500000000e+00, v4;
	_ =	sdelay $0x1  }
0x106: {  	v3 =	vmul.f32 v3, v4;
	_ =	sdelay $0x1  }
0x107: {  	v4 =	vmul.f32 v3, v2;
	_ =	sdelay $0x1  }
0x108: {  	v4 =	vmul.f32 v4, v3;
	_ =	sdelay $0x1  }
0x109: {  	v4 =	vsub.f32 $1.500000000e+00, v4;
	_ =	sdelay $0x1  }
0x10a: {  	v3 =	vmul.f32 v4, v3;
	_ =	sdelay $0x1  }
0x10b: {  	v2 =	vmul.f32 v3, v2;
	_ =	sdelay $0x1  }
0x10c: {  	v2 =	vmul.f32 v2, v3;
	_ =	sdelay $0x1  }
0x10d: {  	v2 =	vsub.f32 $1.500000000e+00, v2;
	_ =	sdelay $0x1  }
0x10e: {  	s0 =	sadd.s32 $0x80, s0;
	v2 =	vmul.f32 v2, v3  }
0x10f: {  	s5 =	sand.u32 $0x70, s1;
	s13 =	sadd.s32 $0x10, s13;
	s6 =	sand.u32 $0x1C00, s0  }
0x110: {  	s19 =	sor.u32 s5, s6;
	[tilespmem:s13+$0x0] =	vst v2  }
0x111: {  	v2 =	vld [tilespmem:s19+$0x10480]  }
0x112: {  	v3 =	vld [tilespmem:s19+$0x10400]  }
0x113: {  	v5 =	vld [tilespmem:s19+$0x10380]  }
0x114: {  	v7 =	vld [tilespmem:s19+$0x10300]  }
0x115: {  	v4 =	vld [tilespmem:s19+$0x10280]  }
0x116: {  	v6 =	vld [tilespmem:s19+$0x10200]  }
0x117: {  	v9 =	vld [tilespmem:s19+$0x10180]  }
0x118: {  	v11 =	vld [tilespmem:s19+$0x10100]  }
0x119: {  	v8 =	vld [tilespmem:s19+$0xF080]  }
.Ltmp3:
0x11a: {  	v10 =	vld [tilespmem:s19+$0xF000];
	(pc) =	sbr.rel @p1 .LBB2_8-.Ltmp3, $4  }
0x11b: {  	v13 =	vld [tilespmem:s19+$0xEF80]  }
0x11c: {  	v15 =	vld [tilespmem:s19+$0xEF00]  }
0x11d: {  	v12 =	vld [tilespmem:s19+$0xEE80]  }
0x11e: {  	s1 =	sadd.s32 $0x10, s1;
	v14 =	vld [tilespmem:s19+$0xEE00]  }
0x11f: {  	v16 =	vld [tilespmem:s19+$0xED80]  }
0x120: {  	v17 =	vld [tilespmem:s19+$0xED00];
	_ =	sdelay $0x1  }
0x121: {  	v5 =	vadd.f32 v5, v7;
	v2 =	vadd.f32 v2, v3  }
0x122: {  	v3 =	vadd.f32 v9, v11;
	v4 =	vadd.f32 v4, v6  }
0x123: {  	v58 =	vadd.f32 v8, v10;
	v57 =	vadd.f32 v13, v15  }
0x124: {  	v60 =	vadd.f32 v12, v14;
	v59 =	vadd.f32 v16, v17  }
0x125: {  	v3 =	vadd.f32 v4, v3;
	v2 =	vadd.f32 v2, v5  }
0x126: {  	v62 =	vadd.f32 v58, v57;
	v61 =	vadd.f32 v60, v59;
	_ =	sdelay $0x1  }
0x127: {  	v2 =	vadd.f32 v2, v3;
	v4 =	vadd.f32 v62, v61;
	_ =	sdelay $0x1  }
0x128: {  	v2 =	vadd.f32 v2, v4;
	_ =	sdelay $0x1  }
0x129: {  	v2 =	vadd.f32 $1.000000000e+00, v2;
	_ =	sdelay $0x1  }
0x12a: {  	v3 =	vshrl.u32 v2, $0x1;
	v2 =	vmul.f32 $5.000000000e-01, v2  }
0x12b: {  	v3 =	vsub.s32 $0x5F3759DF, v3  }
0x12c: {  	v63 =	vmul.f32 v3, v2;
	_ =	sdelay $0x1  }
0x12d: {  	v4 =	vmul.f32 v3, v63;
	_ =	sdelay $0x1  }
0x12e: {  	v4 =	vsub.f32 $1.500000000e+00, v4;
	_ =	sdelay $0x1  }
0x12f: {  	v3 =	vmul.f32 v3, v4;
	_ =	sdelay $0x1  }
0x130: {  	v4 =	vmul.f32 v3, v2;
	_ =	sdelay $0x1  }
0x131: {  	v4 =	vmul.f32 v4, v3;
	_ =	sdelay $0x1  }
0x132: {  	v4 =	vsub.f32 $1.500000000e+00, v4;
	_ =	sdelay $0x1  }
0x133: {  	v3 =	vmul.f32 v4, v3;
	_ =	sdelay $0x1  }
0x134: {  	v2 =	vmul.f32 v3, v2;
	_ =	sdelay $0x1  }
0x135: {  	v2 =	vmul.f32 v2, v3;
	_ =	sdelay $0x1  }
0x136: {  	v2 =	vsub.f32 $1.500000000e+00, v2;
	_ =	sdelay $0x1  }
0x137: {  	v2 =	vmul.f32 v2, v3  }
0x138: {  	s0 =	sadd.s32 $0x10, s13  }
0x139: {  	s22 =	rddreg [dreg:$0xe];
	[tilespmem:s0+$0x0] =	vst v2  }
0x13a: {  	[spmem:s22] =	stream.linear.scatter [tilespmem:s7], [sflag:$0x3], $0x280, $0x38;
	[tilespmem:$0x14200] =	vst v63  }
0x13b: {  	_ =	swait.ge [sflag:s2], $0x280  }
0x13c: {  	[sflag:s2] =	ssyncset.done $0x0  }
0x13d: {  	[sflag:s2] =	ssyncadd.s32 $0xFFFFFD80  }
0x13e: {  	[bflag:$0x0] =	sbarrier.arrive $0xFFFF  }
0x13f: {  	s28 =	rddreg [dreg:$0x3]  }
0x140: {  	[tilespmem:s11], [sflag:$0x3] =	stream.linear.gather [spmem:s28], $0x2800, $0x38;
	[tilespmem:$0x14200] =	vst v63  }
0x141: {  	_ =	swait.ge [sflag:s2], $0x2800  }
0x142: {  	[sflag:s2] =	ssyncset.done $0x0  }
0x143: {  	s1 =	simm.s32 @!p0 $0x11500;
	s0 =	simm.s32 @!p0 $0x0;
	[sflag:s2] =	ssyncadd.s32 $0xFFFFD800  }
0x144: {  	[hbm4b:s23+s0] =	stream.linear.scatter @!p0 [tilespmem:s1], [sflag:$0x3], $0x280, $0x38;
	[tilespmem:$0x14200] =	vst v63  }
0x145: {  	s0 =	simm.s32 @!p0 $0x3  }
0x146: {  	_ =	swait.ge @!p0 [sflag:s0], $0x280  }
0x147: {  	[sflag:s0] =	ssyncset.done @!p0 $0x0  }
0x148: {  	s1 =	simm.s32 $0x200;
	[sflag:s0] =	ssyncadd.s32 @!p0 $0xFFFFFD80;
	s0 =	simm.s32 $0x0  }
.LBB2_10:
0x149: {  	p1 =	sne.s32 s1, $0x9E00;
	[tilespmem:s0+$0x9D70] =	vst v0  }
0x14a: {  	[tilespmem:s0+$0x9D00] =	vst v0  }
0x14b: {  	[tilespmem:s0+$0x9D10] =	vst v0  }
.Ltmp4:
0x14c: {  	[tilespmem:s0+$0x9D20] =	vst v0;
	(pc) =	sbr.rel @p1 .LBB2_10-.Ltmp4, $4  }
0x14d: {  	[tilespmem:s0+$0x9D30] =	vst v0  }
0x14e: {  	[tilespmem:s0+$0x9D40] =	vst v0  }
0x14f: {  	[tilespmem:s0+$0x9D50] =	vst v0  }
0x150: {  	[tilespmem:s0+$0x9D60] =	vst v0;
	s0 =	sshra.s32 s1, $0x2;
	s1 =	sadd.s32 $0x200, s1  }
0x151: {  	[tilespmem:s0+$0x9D70] =	vst v0  }
0x152: {  	[tilespmem:s0+$0x9D00] =	vst v0  }
0x153: {  	[tilespmem:s0+$0x9D10] =	vst v0  }
0x154: {  	[tilespmem:s0+$0x9D20] =	vst v0  }
0x155: {  	[tilespmem:s0+$0x9D30] =	vst v0  }
0x156: {  	[tilespmem:s0+$0x9D40] =	vst v0  }
0x157: {  	[tilespmem:s0+$0x9D50] =	vst v0  }
0x158: {  	[tilespmem:s0+$0x9D60] =	vst v0  }
0x159: {  	v2 =	vld [tilespmem:s14+$0x80];
	_ =	sdelay $0x3  }
0x15a: {  	v3 =	vld [tilespmem:s10+$0x80]  }
0x15b: {  	s20 =	rddreg [dreg:$0x5];
	v4 =	vld [tilespmem:s14+$0x0]  }
0x15c: {  	s0 =	sadd.s32 $0x0, s20  }
0x15d: {  	s1 =	sadd.s32 $0xFFFFFFF0, s24;
	s5 =	sadd.s32 $0x40, s0  }
0x15e: {  	s1 =	sand.u32 $0x70, s1;
	s5 =	sand.u32 $0x1FF00, s5;
	v2 =	vld.idx.msk [tilespmem:v2+s11+$0x0], $0xffff  }
0x15f: {  	v5 =	vld [tilespmem:s10+$0x0];
	s1 =	sor.u32 s1, s5  }
0x160: {  	v6 =	vld [tilespmem:s1+$0x80]  }
0x161: {  	s22 =	sadd.s32 $0x60, s0;
	v7 =	vld [tilespmem:s1+$0x0]  }
0x162: {  	s13 =	sand.u32 $0x70, s24;
	s6 =	sand.u32 $0x1FF00, s22;
	v3 =	vld.idx.msk [tilespmem:v3+s11+$0x0], $0xffff  }
0x163: {  	s1 =	sor.u32 s13, s6;
	[tilespmem:v4+s30+$0x0] =	vst.idx.add.f32.msk $0xffff, v2  }
0x164: {  	v4 =	vld [tilespmem:s1+$0x80];
	_ =	sdelay $0x2  }
0x165: {  	s20 =	sadd.s32 $0x10, s24;
	s19 =	sadd.s32 $0x80, s0;
	v8 =	vld [tilespmem:s1+$0x0]  }
0x166: {  	s5 =	sand.u32 $0x1FF00, s19;
	v6 =	vld.idx.msk [tilespmem:v6+s11+$0x0], $0xffff;
	s1 =	sand.u32 $0x70, s20  }
0x167: {  	[tilespmem:v5+s30+$0x0] =	vst.idx.add.f32.msk $0xffff, v3;
	s1 =	sor.u32 s1, s5  }
0x168: {  	v5 =	vld [tilespmem:s1+$0x80]  }
0x169: {  	s22 =	sadd.s32 $0xA0, s0;
	s6 =	sadd.s32 $0x20, s24;
	v2 =	vld [tilespmem:s1+$0x0]  }
0x16a: {  	s5 =	sand.u32 $0x1FF00, s22;
	s1 =	sand.u32 $0x70, s6;
	v4 =	vld.idx.msk [tilespmem:v4+s11+$0x0], $0xffff  }
0x16b: {  	s1 =	sor.u32 s1, s5;
	[tilespmem:v7+s30+$0x0] =	vst.idx.add.f32.msk $0xffff, v6  }
0x16c: {  	v7 =	vld [tilespmem:s1+$0x80];
	_ =	sdelay $0x2  }
0x16d: {  	s0 =	sadd.s32 $0xC0, s0;
	s19 =	rddreg [dreg:$0x5];
	s13 =	sadd.s32 $0x30, s24;
	v3 =	vld [tilespmem:s1+$0x0]  }
0x16e: {  	s0 =	sand.u32 $0x1FF00, s0;
	s19 =	sadd.s32 $0xA0, s19;
	s1 =	sand.u32 $0x70, s13;
	v6 =	vld.idx.msk [tilespmem:v5+s11+$0x0], $0xffff  }
0x16f: {  	s28 =	sadd.s32 $0x60, s19;
	s6 =	sor.u32 s1, s0;
	[tilespmem:v8+s30+$0x0] =	vst.idx.add.f32.msk $0xffff, v4  }
0x170: {  	s28 =	sand.u32 $0x1FF00, s28;
	s0 =	sadd.s32 $0x50, s24;
	v5 =	vld [tilespmem:s6+$0x80]  }
0x171: {  	s22 =	sadd.s32 $0x40, s19;
	s13 =	sadd.s32 $0x80, s19;
	s20 =	sadd.s32 $0xFFFFFFF0, s0;
	v4 =	vld [tilespmem:s6+$0x0]  }
0x172: {  	s1 =	simm.s32 $0x140;
	s5 =	sand.u32 $0x70, s20;
	s6 =	sand.u32 $0x1FF00, s22;
	v7 =	vld.idx.msk [tilespmem:v7+s11+$0x0], $0xffff  }
.LBB2_12:
0x173: {  	_ =	sdelay $0x1  }
0x174: {  	s5 =	sor.u32 s5, s6;
	[tilespmem:v2+s30+$0x0] =	vst.idx.add.f32.msk $0xffff, v6  }
0x175: {  	v2 =	vld [tilespmem:s5+$0x80]  }
0x176: {  	v6 =	vld [tilespmem:s5+$0x0]  }
0x177: {  	s22 =	smov.u32 s1;
	v5 =	vld.idx.msk [tilespmem:v5+s11+$0x0], $0xffff;
	s5 =	sand.u32 $0x70, s0  }
0x178: {  	s20 =	sadd.s32 $0xA0, s1;
	p1 =	sne.s32 s1, $0x4CE0;
	[tilespmem:v3+s30+$0x0] =	vst.idx.add.f32.msk $0xffff, v7;
	s1 =	sor.u32 s5, s28  }
0x179: {  	v3 =	vld [tilespmem:s1+$0x80];
	_ =	sdelay $0x2  }
0x17a: {  	s5 =	sadd.s32 $0x10, s0;
	v7 =	vld [tilespmem:s1+$0x0]  }
0x17b: {  	s13 =	sand.u32 $0x1FF00, s13;
	s1 =	sand.u32 $0x70, s5;
	v8 =	vld.idx.msk [tilespmem:v2+s11+$0x0], $0xffff  }
0x17c: {  	s1 =	sor.u32 s1, s13;
	[tilespmem:v4+s30+$0x0] =	vst.idx.add.f32.msk $0xffff, v5  }
0x17d: {  	v4 =	vld [tilespmem:s1+$0x80]  }
0x17e: {  	s6 =	sadd.s32 $0xA0, s19;
	s5 =	sadd.s32 $0x20, s0;
	v2 =	vld [tilespmem:s1+$0x0]  }
0x17f: {  	s6 =	sand.u32 $0x1FF00, s6;
	s1 =	sand.u32 $0x70, s5;
	v5 =	vld.idx.msk [tilespmem:v3+s11+$0x0], $0xffff  }
0x180: {  	s1 =	sor.u32 s1, s6;
	[tilespmem:v6+s30+$0x0] =	vst.idx.add.f32.msk $0xffff, v8  }
0x181: {  	v8 =	vld [tilespmem:s1+$0x80];
	_ =	sdelay $0x1  }
0x182: {  	s19 =	sadd.s32 $0xC0, s19  }
0x183: {  	s19 =	sand.u32 $0x1FF00, s19;
	s6 =	sadd.s32 $0x30, s0;
	v3 =	vld [tilespmem:s1+$0x0]  }
.Ltmp5:
0x184: {  	s0 =	sadd.s32 $0x50, s0;
	s1 =	sand.u32 $0x70, s6;
	v6 =	vld.idx.msk [tilespmem:v4+s11+$0x0], $0xffff;
	(pc) =	sbr.rel @p1 .LBB2_12-.Ltmp5, $4  }
0x185: {  	s13 =	rddreg [dreg:$0x5];
	s6 =	sadd.s32 $0xFFFFFFF0, s0;
	s1 =	sor.u32 s1, s19;
	[tilespmem:v7+s30+$0x0] =	vst.idx.add.f32.msk $0xffff, v5  }
0x186: {  	s19 =	sadd.s32 s22, s13;
	s5 =	sand.u32 $0x70, s6;
	v5 =	vld [tilespmem:s1+$0x80]  }
0x187: {  	s22 =	sadd.s32 $0x60, s19;
	s13 =	sadd.s32 $0x80, s19;
	v4 =	vld [tilespmem:s1+$0x0];
	s1 =	sadd.s32 $0x40, s19  }
0x188: {  	s28 =	sand.u32 $0x1FF00, s22;
	s6 =	sand.u32 $0x1FF00, s1;
	s1 =	smov.u32 s20;
	v7 =	vld.idx.msk [tilespmem:v8+s11+$0x0], $0xffff  }
0x189: {  	_ =	sdelay $0x3  }
0x18a: {  	s1 =	sor.u32 s5, s6;
	[tilespmem:v2+s30+$0x0] =	vst.idx.add.f32.msk $0xffff, v6  }
0x18b: {  	v2 =	vld [tilespmem:s1+$0x80]  }
0x18c: {  	v6 =	vld [tilespmem:s1+$0x0]  }
0x18d: {  	s20 =	sand.u32 $0x70, s0;
	v5 =	vld.idx.msk [tilespmem:v5+s11+$0x0], $0xffff  }
0x18e: {  	s1 =	sor.u32 s20, s28;
	[tilespmem:v3+s30+$0x0] =	vst.idx.add.f32.msk $0xffff, v7  }
0x18f: {  	v3 =	vld [tilespmem:s1+$0x80];
	_ =	sdelay $0x2  }
0x190: {  	s22 =	sadd.s32 $0x10, s0;
	v7 =	vld [tilespmem:s1+$0x0]  }
0x191: {  	s28 =	sand.u32 $0x1FF00, s13;
	s1 =	sand.u32 $0x70, s22;
	v2 =	vld.idx.msk [tilespmem:v2+s11+$0x0], $0xffff  }
0x192: {  	s1 =	sor.u32 s1, s28;
	[tilespmem:v4+s30+$0x0] =	vst.idx.add.f32.msk $0xffff, v5  }
0x193: {  	v4 =	vld [tilespmem:s1+$0x80]  }
0x194: {  	s6 =	sadd.s32 $0xA0, s19;
	s13 =	sadd.s32 $0x20, s0;
	v5 =	vld [tilespmem:s1+$0x0]  }
0x195: {  	s5 =	sand.u32 $0x1FF00, s6;
	s1 =	sand.u32 $0x70, s13;
	v3 =	vld.idx.msk [tilespmem:v3+s11+$0x0], $0xffff  }
0x196: {  	s1 =	sor.u32 s1, s5;
	[tilespmem:v6+s30+$0x0] =	vst.idx.add.f32.msk $0xffff, v2  }
0x197: {  	v2 =	vld [tilespmem:s1+$0x80];
	_ =	sdelay $0x2  }
0x198: {  	s19 =	sadd.s32 $0xC0, s19;
	s20 =	sadd.s32 $0x30, s0;
	v6 =	vld [tilespmem:s1+$0x0]  }
0x199: {  	s0 =	sand.u32 $0x70, s20;
	s22 =	sand.u32 $0x1FF00, s19;
	v4 =	vld.idx.msk [tilespmem:v4+s11+$0x0], $0xffff  }
0x19a: {  	s0 =	sor.u32 s0, s22;
	[tilespmem:v7+s30+$0x0] =	vst.idx.add.f32.msk $0xffff, v3  }
0x19b: {  	v3 =	vld [tilespmem:s0+$0x80]  }
0x19c: {  	v7 =	vld [tilespmem:s0+$0x0]  }
0x19d: {  	v2 =	vld.idx.msk [tilespmem:v2+s11+$0x0], $0xffff  }
0x19e: {  	[tilespmem:v5+s30+$0x0] =	vst.idx.add.f32.msk $0xffff, v4  }
0x19f: {  	v4 =	vld [tilespmem:s15+$0x80];
	_ =	sdelay $0x2  }
0x1a0: {  	v5 =	vld [tilespmem:s15+$0x0]  }
0x1a1: {  	v3 =	vld.idx.msk [tilespmem:v3+s11+$0x0], $0xffff  }
0x1a2: {  	[tilespmem:v6+s30+$0x0] =	vst.idx.add.f32.msk $0xffff, v2  }
0x1a3: {  	v2 =	vld [tilespmem:s16+$0x0]  }
0x1a4: {  	v6 =	vld [tilespmem:s16+$0x80]  }
0x1a5: {  	v4 =	vld.idx.msk [tilespmem:v4+s11+$0x0], $0xffff  }
0x1a6: {  	[tilespmem:v7+s30+$0x0] =	vst.idx.add.f32.msk $0xffff, v3  }
0x1a7: {  	v3 =	vld [tilespmem:s17+$0x80];
	_ =	sdelay $0x4  }
0x1a8: {  	v7 =	vld [tilespmem:s17+$0x0]  }
0x1a9: {  	v6 =	vld.idx.msk [tilespmem:v6+s11+$0x0], $0xffff  }
0x1aa: {  	[tilespmem:v5+s30+$0x0] =	vst.idx.add.f32.msk $0xffff, v4  }
0x1ab: {  	v3 =	vld.idx.msk [tilespmem:v3+s11+$0x0], $0xffff;
	_ =	sdelay $0x3  }
0x1ac: {  	[tilespmem:v2+s30+$0x0] =	vst.idx.add.f32.msk $0xffff, v6  }
0x1ad: {  	s22 =	simm.s32 $0x80;
	s28 =	simm.s32 $0x400;
	[tilespmem:v7+s30+$0x0] =	vst.idx.add.f32.msk $0xffff, v3  }
0x1ae: {  	[spmem:s8] =	stream.strided.scatter [tilespmem:s30], [sflag:$0x3], $0x2800, s28, s22, $0x38;
	[tilespmem:$0x14200] =	vst v63  }
0x1af: {  	_ =	swait.ge [sflag:s2], $0x2800  }
0x1b0: {  	[sflag:s2] =	ssyncset.done $0x0  }
0x1b1: {  	s6 =	simm.s32 $0xED00;
	[sflag:s2] =	ssyncadd.s32 $0xFFFFD800  }
0x1b2: {  	s5 =	simm.s32 $0x14000;
	s1 =	simm.s32 $0x1400;
	[bflag:$0x0] =	sbarrier.arrive $0xFFFF  }
0x1b3: {  	[tilespmem:s6], [sflag:$0x3] =	stream.strided.gather [spmem:s9], $0x2800, s5, s1, $0x38;
	[tilespmem:$0x14200] =	vst v63  }
0x1b4: {  	s13 =	simm.s32 $0x0;
	_ =	swait.ge [sflag:s2], $0x2800  }
0x1b5: {  	s19 =	sand.u32 $0x70, s13;
	s0 =	sand.u32 $0x1C00, s13;
	[sflag:s2] =	ssyncset.done $0x0  }
0x1b6: {  	s0 =	sor.u32 s19, s0;
	[sflag:s2] =	ssyncadd.s32 $0xFFFFD800  }
0x1b7: {  	v2 =	vld [tilespmem:s0+$0xED80]  }
0x1b8: {  	v3 =	vld [tilespmem:s0+$0xED00]  }
0x1b9: {  	v4 =	vld [tilespmem:s0+$0xEE00]  }
0x1ba: {  	v5 =	vld [tilespmem:s0+$0xEE80]  }
0x1bb: {  	v6 =	vld [tilespmem:s0+$0xEF00]  }
0x1bc: {  	v7 =	vld [tilespmem:s0+$0xEF80]  }
0x1bd: {  	v8 =	vld [tilespmem:s0+$0xF000]  }
0x1be: {  	v9 =	vld [tilespmem:s0+$0xF080]  }
0x1bf: {  	v10 =	vld [tilespmem:s0+$0x10100]  }
0x1c0: {  	v11 =	vld [tilespmem:s0+$0x10180]  }
0x1c1: {  	v12 =	vld [tilespmem:s0+$0x10200]  }
0x1c2: {  	v13 =	vld [tilespmem:s0+$0x10280]  }
0x1c3: {  	v14 =	vld [tilespmem:s0+$0x10300]  }
0x1c4: {  	v15 =	vld [tilespmem:s0+$0x10380]  }
0x1c5: {  	v16 =	vld [tilespmem:s0+$0x10400]  }
0x1c6: {  	v17 =	vld [tilespmem:s0+$0x10480];
	_ =	sdelay $0x1  }
0x1c7: {  	v2 =	vadd.f32 v2, v3;
	v3 =	vadd.f32 v5, v4  }
0x1c8: {  	v4 =	vadd.f32 v7, v6;
	v5 =	vadd.f32 v9, v8  }
0x1c9: {  	v6 =	vadd.f32 v11, v10;
	v7 =	vadd.f32 v13, v12  }
0x1ca: {  	v8 =	vadd.f32 v15, v14;
	v9 =	vadd.f32 v17, v16  }
0x1cb: {  	v2 =	vadd.f32 v3, v2;
	v3 =	vadd.f32 v5, v4  }
0x1cc: {  	v4 =	vadd.f32 v7, v6;
	v5 =	vadd.f32 v9, v8;
	_ =	sdelay $0x1  }
0x1cd: {  	v2 =	vadd.f32 v3, v2;
	v3 =	vadd.f32 v5, v4;
	_ =	sdelay $0x1  }
0x1ce: {  	s20 =	simm.s32 $0x10;
	s1 =	simm.s32 $0x80;
	v2 =	vadd.f32 v3, v2  }
0x1cf: {  	s5 =	sand.u32 $0x70, s20;
	s28 =	sand.u32 $0x1C00, s1;
	s0 =	simm.s32 $0x11500  }
0x1d0: {  	s19 =	sor.u32 s5, s28;
	[tilespmem:s0+$0x0] =	vst v2  }
0x1d1: {  	v2 =	vld [tilespmem:s19+$0xED80]  }
0x1d2: {  	v3 =	vld [tilespmem:s19+$0xED00]  }
0x1d3: {  	v4 =	vld [tilespmem:s19+$0xEE00]  }
0x1d4: {  	v5 =	vld [tilespmem:s19+$0xEE80]  }
0x1d5: {  	v6 =	vld [tilespmem:s19+$0xEF00]  }
0x1d6: {  	v7 =	vld [tilespmem:s19+$0xEF80]  }
0x1d7: {  	v8 =	vld [tilespmem:s19+$0xF000]  }
0x1d8: {  	v9 =	vld [tilespmem:s19+$0xF080]  }
0x1d9: {  	v10 =	vld [tilespmem:s19+$0x10100]  }
0x1da: {  	v11 =	vld [tilespmem:s19+$0x10180]  }
0x1db: {  	v12 =	vld [tilespmem:s19+$0x10200]  }
0x1dc: {  	v13 =	vld [tilespmem:s19+$0x10280]  }
0x1dd: {  	v14 =	vld [tilespmem:s19+$0x10300]  }
0x1de: {  	s13 =	simm.s32 $0x20;
	v15 =	vld [tilespmem:s19+$0x10380]  }
.LBB2_14:
0x1df: {  	p1 =	sne.s32 s13, $0x270;
	v16 =	vld [tilespmem:s19+$0x10400]  }
0x1e0: {  	v17 =	vld [tilespmem:s19+$0x10480];
	_ =	sdelay $0x1  }
0x1e1: {  	v2 =	vadd.f32 v2, v3;
	v3 =	vadd.f32 v5, v4  }
0x1e2: {  	v4 =	vadd.f32 v7, v6;
	v5 =	vadd.f32 v9, v8  }
0x1e3: {  	v6 =	vadd.f32 v11, v10;
	v7 =	vadd.f32 v13, v12  }
0x1e4: {  	v8 =	vadd.f32 v15, v14;
	v9 =	vadd.f32 v17, v16  }
0x1e5: {  	v2 =	vadd.f32 v3, v2;
	v3 =	vadd.f32 v5, v4  }
0x1e6: {  	v4 =	vadd.f32 v7, v6;
	v5 =	vadd.f32 v9, v8;
	_ =	sdelay $0x1  }
0x1e7: {  	v2 =	vadd.f32 v3, v2;
	v3 =	vadd.f32 v5, v4;
	_ =	sdelay $0x1  }
0x1e8: {  	s1 =	sadd.s32 $0x80, s1;
	v2 =	vadd.f32 v3, v2  }
0x1e9: {  	s5 =	sand.u32 $0x70, s13;
	s0 =	sadd.s32 $0x10, s0;
	s6 =	sand.u32 $0x1C00, s1  }
0x1ea: {  	s19 =	sor.u32 s5, s6;
	[tilespmem:s0+$0x0] =	vst v2  }
0x1eb: {  	v2 =	vld [tilespmem:s19+$0xED80]  }
0x1ec: {  	v3 =	vld [tilespmem:s19+$0xED00]  }
0x1ed: {  	v4 =	vld [tilespmem:s19+$0xEE00]  }
0x1ee: {  	v5 =	vld [tilespmem:s19+$0xEE80]  }
0x1ef: {  	v6 =	vld [tilespmem:s19+$0xEF00]  }
0x1f0: {  	v7 =	vld [tilespmem:s19+$0xEF80]  }
0x1f1: {  	v8 =	vld [tilespmem:s19+$0xF000]  }
0x1f2: {  	v9 =	vld [tilespmem:s19+$0xF080]  }
0x1f3: {  	v10 =	vld [tilespmem:s19+$0x10100]  }
.Ltmp6:
0x1f4: {  	v11 =	vld [tilespmem:s19+$0x10180];
	(pc) =	sbr.rel @p1 .LBB2_14-.Ltmp6, $4  }
0x1f5: {  	v12 =	vld [tilespmem:s19+$0x10200]  }
0x1f6: {  	v13 =	vld [tilespmem:s19+$0x10280]  }
0x1f7: {  	v14 =	vld [tilespmem:s19+$0x10300]  }
0x1f8: {  	s13 =	sadd.s32 $0x10, s13;
	v15 =	vld [tilespmem:s19+$0x10380]  }
0x1f9: {  	v16 =	vld [tilespmem:s19+$0x10400]  }
0x1fa: {  	v17 =	vld [tilespmem:s19+$0x10480];
	_ =	sdelay $0x1  }
0x1fb: {  	v2 =	vadd.f32 v2, v3;
	v3 =	vadd.f32 v5, v4  }
0x1fc: {  	v56 =	vadd.f32 v7, v6;
	v57 =	vadd.f32 v9, v8  }
0x1fd: {  	v58 =	vadd.f32 v11, v10;
	v59 =	vadd.f32 v13, v12  }
0x1fe: {  	v60 =	vadd.f32 v15, v14;
	v61 =	vadd.f32 v17, v16  }
0x1ff: {  	v2 =	vadd.f32 v3, v2;
	v3 =	vadd.f32 v57, v56  }
0x200: {  	v62 =	vadd.f32 v59, v58;
	v63 =	vadd.f32 v61, v60;
	_ =	sdelay $0x1  }
0x201: {  	v2 =	vadd.f32 v3, v2;
	v3 =	vadd.f32 v63, v62;
	_ =	sdelay $0x1  }
0x202: {  	s12 =	sadd.s32 $0x1, s12;
	v2 =	vadd.f32 v3, v2  }
0x203: {  	s0 =	sadd.s32 $0x10, s0;
	p1 =	sne.s32 s12, s25  }
.Ltmp7:
0x204: {  	s28 =	rddreg [dreg:$0xc];
	[tilespmem:s0+$0x0] =	vst v2;
	(pc) =	sbr.rel @p1 .LBB2_1-.Ltmp7, $4  }
0x205: {  	[hbm4b:s28+s3] =	stream.linear.scatter [tilespmem:s7], [sflag:$0x3], $0x280, $0x38;
	[tilespmem:$0x14200] =	vst v63  }
0x206: {  	_ =	swait.ge [sflag:s2], $0x280  }
0x207: {  	[sflag:s2] =	ssyncset.done $0x0  }
0x208: {  	[sflag:s2] =	ssyncadd.s32 $0xFFFFFD80  }
0x209: {  	_ =	sfence.sel $0x180000  }
0x20a: {  	[bflag:$0x0] =	sbarrier.arrive $0xFFFF  }
0x20b: {  	_ =	strace $0x90000047  }
0x20c: {  	s0 =	stileid.u32;
	[bflag:$0x2] =	sbarrier.arrive $0xFFFF  }
0x20d: {  	p0 =	sne.s32 s0, $0x0;
	s0 =	rddreg [dreg:$0x4]  }
0x20e: {  	s0 =	sadd.s32 @!p0 $0x100000, s0  }
0x20f: {  	[sflag:s0] =	ssyncadd.tile.s32 @!p0 $0x1;
	_ =	shalt  }
.Lfunc_end2:
_tile_overlayer_lowered:
.L_overlay_start_2:
0x210: {  	(tag) =	ssettag $0x2  }
0x211: {  	s0 =	rddreg [dreg:$0x0];
	s2 =	stileid.u32  }
0x212: {  	s1 =	rddreg [dreg:$0x1];
	p0 =	sne.s32 s2, $0x0  }
0x213: {  	s3 =	rddreg [dreg:$0x2];
	[bflag:$0x3] =	sbarrier.arrive $0xFFFF;
	s2 =	simm.s32 @!p0 $0x1C03  }
0x214: {  	[timem:s3], [sflag:s2] =	dma.local @!p0 [hbm:s0], s1  }
0x215: {  	s0 =	simm.s32 @!p0 $0x3  }
0x216: {  	_ =	swait.ge @!p0 [sflag:s0], s1  }
0x217: {  	s1 =	ssub.s32 @!p0 $0x0, s1;
	[sflag:s0] =	ssyncset.done @!p0 $0x0  }
0x218: {  	[sflag:s0] =	ssyncadd.s32 @!p0 s1  }
0x219: {  	[bflag:$0x3] =	sbarrier.arrive $0xFFFF  }
0x21a: {  	_ =	shalt  }

</sc_bundles>
